<compile_context>
chip_gen: v7x
topology: tpu7x:2x2x1
jax: 0.10.2.dev20260603
libtpu: 0.0.44.dev20260713+nightly
codegen_flags: <defaults>
</compile_context>

<pallas_src>
import jax
import jax.numpy as jnp
from jax import lax
from jax.experimental import pallas as pl
from jax.experimental.pallas import tpu as pltpu
from jax.experimental.pallas import tpu_sc as plsc

B, L = 4096, 200
N = B * L
D0, D1, D2 = 64, 32, 32
DO = D0 + D1 + D2
NC, NS = 2, 16
NW = NC * NS
C = 400
TOK_PER_W = N // NW
CHUNKS_PER_W = TOK_PER_W // C


def _encoder_kernel(ids0, ids1, ids2, t0, t1, t2, out,
                    t0_s, t1_s, t2_s,
                    idx0_v, idx1_v, idx2_v,
                    e0_v, e1_v, e2_v,
                    sem_i, sem_g, sem_w):
    cid = lax.axis_index("c")
    sid = lax.axis_index("s")
    wid = sid * NC + cid

    @pl.when(sid == 0)
    def _stage():
        pltpu.sync_copy(t0, t0_s)
        pltpu.sync_copy(t1, t1_s)
        pltpu.sync_copy(t2, t2_s)

    plsc.subcore_barrier()

    row0 = wid * CHUNKS_PER_W

    def fire_idx_fetch(c, p):
        r = row0 + lax.rem(c, CHUNKS_PER_W)
        pltpu.async_copy(ids0.at[r], idx0_v.at[p], sem_i.at[p])
        pltpu.async_copy(ids1.at[r], idx1_v.at[p], sem_i.at[p])
        pltpu.async_copy(ids2.at[r], idx2_v.at[p], sem_i.at[p])

    def wait_idx_fetch(p):
        pltpu.make_async_copy(ids0.at[0], idx0_v.at[p], sem_i.at[p]).wait()
        pltpu.make_async_copy(ids1.at[0], idx1_v.at[p], sem_i.at[p]).wait()
        pltpu.make_async_copy(ids2.at[0], idx2_v.at[p], sem_i.at[p]).wait()

    def out_slices(base):
        return (out.at[pl.ds(base, C), pl.ds(0, D0)],
                out.at[pl.ds(base, C), pl.ds(D0, D1)],
                out.at[pl.ds(base, C), pl.ds(D0 + D1, D2)])

    def wait_writes(p, e0, e1, e2):
        o0, o1, o2 = out_slices(0)
        pltpu.make_async_copy(e0, o0, sem_w.at[p]).wait()
        pltpu.make_async_copy(e1, o1, sem_w.at[p]).wait()
        pltpu.make_async_copy(e2, o2, sem_w.at[p]).wait()

    def wait_gathers(p, e0, e1, e2):
        pltpu.make_async_copy(t0_s.at[idx0_v.at[p]], e0, sem_g.at[p]).wait()
        pltpu.make_async_copy(t1_s.at[idx1_v.at[p]], e1, sem_g.at[p]).wait()
        pltpu.make_async_copy(t2_s.at[idx2_v.at[p]], e2, sem_g.at[p]).wait()

    def chunk_step(c, p):
        q = 1 - p
        e0, e1, e2 = e0_v.at[p], e1_v.at[p], e2_v.at[p]
        f0, f1, f2 = e0_v.at[q], e1_v.at[q], e2_v.at[q]
        wait_idx_fetch(p)
        @pl.when(c >= 2)
        def _():
            wait_writes(p, e0, e1, e2)
        pltpu.async_copy(t0_s.at[idx0_v.at[p]], e0, sem_g.at[p])
        pltpu.async_copy(t1_s.at[idx1_v.at[p]], e1, sem_g.at[p])
        pltpu.async_copy(t2_s.at[idx2_v.at[p]], e2, sem_g.at[p])

        @pl.when(c >= 1)
        def _():
            wait_gathers(q, f0, f1, f2)
            fire_idx_fetch(c + 1, q)
            base = (row0 + c - 1) * C
            o0, o1, o2 = out_slices(base)
            pltpu.async_copy(f0, o0, sem_w.at[q])
            pltpu.async_copy(f1, o1, sem_w.at[q])
            pltpu.async_copy(f2, o2, sem_w.at[q])

        @pl.when(c == 0)
        def _():
            fire_idx_fetch(1, q)

    fire_idx_fetch(0, 0)

    def body(i, carry):
        chunk_step(2 * i, 0)
        chunk_step(2 * i + 1, 1)
        return carry

    lax.fori_loop(0, CHUNKS_PER_W // 2, body, 0)

    lastp = 1
    el0, el1, el2 = e0_v.at[lastp], e1_v.at[lastp], e2_v.at[lastp]
    wait_gathers(lastp, el0, el1, el2)
    base = (row0 + CHUNKS_PER_W - 1) * C
    o0, o1, o2 = out_slices(base)
    pltpu.async_copy(el0, o0, sem_w.at[lastp])
    pltpu.async_copy(el1, o1, sem_w.at[lastp])
    pltpu.async_copy(el2, o2, sem_w.at[lastp])
    wait_writes(0, e0_v.at[0], e1_v.at[0], e2_v.at[0])
    wait_writes(1, el0, el1, el2)
    wait_idx_fetch(0)


def kernel(pos_ids_0, pos_ids_1, pos_ids_2, table_0, table_1, table_2):
    ids0 = pos_ids_0.reshape(N // C, C)
    ids1 = pos_ids_1.reshape(N // C, C)
    ids2 = pos_ids_2.reshape(N // C, C)

    mesh = plsc.VectorSubcoreMesh(core_axis_name="c", subcore_axis_name="s")
    run = pl.kernel(
        _encoder_kernel,
        out_type=jax.ShapeDtypeStruct((N, DO), jnp.float32),
        mesh=mesh,
        compiler_params=pltpu.CompilerParams(use_tc_tiling_on_sc=False),
        scratch_types=[
            pltpu.VMEM_SHARED((2048, D0), jnp.float32),
            pltpu.VMEM_SHARED((2048, D1), jnp.float32),
            pltpu.VMEM_SHARED((512, D2), jnp.float32),
            pltpu.VMEM((2, C), jnp.int32),
            pltpu.VMEM((2, C), jnp.int32),
            pltpu.VMEM((2, C), jnp.int32),
            pltpu.VMEM((2, C, D0), jnp.float32),
            pltpu.VMEM((2, C, D1), jnp.float32),
            pltpu.VMEM((2, C, D2), jnp.float32),
            pltpu.SemaphoreType.DMA((2,)),
            pltpu.SemaphoreType.DMA((2,)),
            pltpu.SemaphoreType.DMA((2,)),
        ],
    )
    out = run(ids0, ids1, ids2, table_0, table_1, table_2)
    return out.reshape(B, L, DO)

# --- scband reference (transcript-rebuilt; emitter-appended) ---
"""Pipeline reference for scband-multi-positional-encoder-39840116637735 (READ-ONLY COPY).

The authoritative reference and input builder live on the scoring server;
editing this copy changes nothing except your own understanding.
"""

import jax, jax.numpy as jnp
import numpy as np

MAX_LENGTHS = [2048, 2048, 512]
EMB_DIMS = [64, 32, 32]
B, L = 4096, 200

def setup_inputs(seed: int = 0) -> dict:
    key = jax.random.key(seed)
    ks = jax.random.split(key, 6)
    pos_ids_0 = jax.random.randint(ks[0], (B, L), 0, MAX_LENGTHS[0], dtype=jnp.int64 if jax.config.jax_enable_x64 else jnp.int32)
    pos_ids_1 = jax.random.randint(ks[1], (B, L), 0, MAX_LENGTHS[1], dtype=jnp.int64 if jax.config.jax_enable_x64 else jnp.int32)
    pos_ids_2 = jax.random.randint(ks[2], (B, L), 0, MAX_LENGTHS[2], dtype=jnp.int64 if jax.config.jax_enable_x64 else jnp.int32)
    table_0 = jax.random.normal(ks[3], (MAX_LENGTHS[0], EMB_DIMS[0]), dtype=jnp.float32) * 0.02
    table_1 = jax.random.normal(ks[4], (MAX_LENGTHS[1], EMB_DIMS[1]), dtype=jnp.float32) * 0.02
    table_2 = jax.random.normal(ks[5], (MAX_LENGTHS[2], EMB_DIMS[2]), dtype=jnp.float32) * 0.02
    return {"pos_ids_0": pos_ids_0, "pos_ids_1": pos_ids_1, "pos_ids_2": pos_ids_2,
            "table_0": table_0, "table_1": table_1, "table_2": table_2}

def reference(pos_ids_0, pos_ids_1, pos_ids_2, table_0, table_1, table_2):
    # Each PositionalEncoder is a learned positional embedding lookup.
    e0 = jnp.take(table_0, pos_ids_0, axis=0)
    e1 = jnp.take(table_1, pos_ids_1, axis=0)
    e2 = jnp.take(table_2, pos_ids_2, axis=0)
    return jnp.concatenate([e0, e1, e2], axis=-1)

if __name__ == "__main__":
    import jax
    _d = setup_inputs()
    print(jax.jit(kernel)(*tuple(_d.values())))

</pallas_src>

<mosaic_0001>
#map = affine_map<(d0, d1) -> (0, 0)>
module attributes {stable_mosaic.version = 14 : i64} {
  func.func @_encoder_kernel(%arg0: i32, %arg1: i32, %arg2: memref<2048x400xi32, #tpu.memory_space<hbm>>, %arg3: memref<2048x400xi32, #tpu.memory_space<hbm>>, %arg4: memref<2048x400xi32, #tpu.memory_space<hbm>>, %arg5: memref<2048x64xf32, #tpu.memory_space<hbm>>, %arg6: memref<2048x32xf32, #tpu.memory_space<hbm>>, %arg7: memref<512x32xf32, #tpu.memory_space<hbm>>, %arg8: memref<819200x128xf32, #tpu.memory_space<hbm>>, %arg9: memref<2048x64xf32, #tpu.memory_space<vmem_shared>>, %arg10: memref<2048x32xf32, #tpu.memory_space<vmem_shared>>, %arg11: memref<512x32xf32, #tpu.memory_space<vmem_shared>>, %arg12: memref<2x400xi32, #tpu.memory_space<vmem>>, %arg13: memref<2x400xi32, #tpu.memory_space<vmem>>, %arg14: memref<2x400xi32, #tpu.memory_space<vmem>>, %arg15: memref<2x400x64xf32, #tpu.memory_space<vmem>>, %arg16: memref<2x400x32xf32, #tpu.memory_space<vmem>>, %arg17: memref<2x400x32xf32, #tpu.memory_space<vmem>>, %arg18: memref<2x!tpu.dma_semaphore, #tpu.memory_space<semaphore_mem>>, %arg19: memref<2x!tpu.dma_semaphore, #tpu.memory_space<semaphore_mem>>, %arg20: memref<2x!tpu.dma_semaphore, #tpu.memory_space<semaphore_mem>>) attributes {dimension_semantics = [#tpu.dimension_semantics<core_parallel>, #tpu.dimension_semantics<subcore_parallel>], iteration_bounds = array<i64: 2, 16>, scalar_prefetch = 0 : i64, scratch_operands = 12 : i64, tpu.core_type = #tpu.core_type<sc_vector_subcore>, window_params = [{transform_indices = #map}, {transform_indices = #map}, {transform_indices = #map}, {transform_indices = #map}, {transform_indices = #map}, {transform_indices = #map}, {transform_indices = #map}]} {
    %mul3A = arith.constant 2 : i32
    %mul3A_0 = arith.muli %arg1, %mul3A : i32
    %add3A = arith.addi %mul3A_0, %arg0 : i32
    %eq3A = arith.constant 0 : i32
    %eq3A_1 = arith.cmpi eq, %arg1, %eq3A : i32
    %convert_element_type3A = arith.extui %eq3A_1 : i1 to i32
    %cond3A = arith.constant 0 : i32
    %cond3A_2 = arith.cmpi ne, %convert_element_type3A, %cond3A : i32
    scf.if %cond3A_2 {
      "tpu.region"() ({
        %run_scoped3A = tpu.sem_alloc : memref<!tpu.dma_semaphore, #tpu.memory_space<semaphore_mem>>
        tpu.enqueue_dma source(%arg5 : memref<2048x64xf32, #tpu.memory_space<hbm>>) target(%arg9 : memref<2048x64xf32, #tpu.memory_space<vmem_shared>>) target_semaphore(%run_scoped3A : memref<!tpu.dma_semaphore, #tpu.memory_space<semaphore_mem>>)
        tpu.wait_dma2 semaphore(%run_scoped3A : memref<!tpu.dma_semaphore, #tpu.memory_space<semaphore_mem>>) src(%arg5 : memref<2048x64xf32, #tpu.memory_space<hbm>>) dst(%arg9 : memref<2048x64xf32, #tpu.memory_space<vmem_shared>>)
        tpu.yield
      }) : () -> ()
      "tpu.region"() ({
        %run_scoped3A = tpu.sem_alloc : memref<!tpu.dma_semaphore, #tpu.memory_space<semaphore_mem>>
        tpu.enqueue_dma source(%arg6 : memref<2048x32xf32, #tpu.memory_space<hbm>>) target(%arg10 : memref<2048x32xf32, #tpu.memory_space<vmem_shared>>) target_semaphore(%run_scoped3A : memref<!tpu.dma_semaphore, #tpu.memory_space<semaphore_mem>>)
        tpu.wait_dma2 semaphore(%run_scoped3A : memref<!tpu.dma_semaphore, #tpu.memory_space<semaphore_mem>>) src(%arg6 : memref<2048x32xf32, #tpu.memory_space<hbm>>) dst(%arg10 : memref<2048x32xf32, #tpu.memory_space<vmem_shared>>)
        tpu.yield
      }) : () -> ()
      "tpu.region"() ({
        %run_scoped3A = tpu.sem_alloc : memref<!tpu.dma_semaphore, #tpu.memory_space<semaphore_mem>>
        tpu.enqueue_dma source(%arg7 : memref<512x32xf32, #tpu.memory_space<hbm>>) target(%arg11 : memref<512x32xf32, #tpu.memory_space<vmem_shared>>) target_semaphore(%run_scoped3A : memref<!tpu.dma_semaphore, #tpu.memory_space<semaphore_mem>>)
        tpu.wait_dma2 semaphore(%run_scoped3A : memref<!tpu.dma_semaphore, #tpu.memory_space<semaphore_mem>>) src(%arg7 : memref<512x32xf32, #tpu.memory_space<hbm>>) dst(%arg11 : memref<512x32xf32, #tpu.memory_space<vmem_shared>>)
        tpu.yield
      }) : () -> ()
    } else {
    }
    %barrier3A = arith.constant 0 : index
    tpu.barrier barrier_id(%barrier3A)
    %mul3A_3 = arith.constant 64 : i32
    %mul3A_4 = arith.muli %add3A, %mul3A_3 : i32
    %rem3A = arith.constant 0 : i32
    %rem3A_5 = arith.constant 64 : i32
    %rem3A_6 = arith.remsi %rem3A, %rem3A_5 : i32
    %add3A_7 = arith.addi %mul3A_4, %rem3A_6 : i32
    %dma_start3A = arith.constant 0 : i32
    %dma_start3A_8 = arith.constant 0 : i32
    %dma_start3A_9 = arith.constant 0 : i32
    %dma_start3A_10 = tpu.memref_slice %arg12[%dma_start3A, %dma_start3A_9] : memref<2x400xi32, #tpu.memory_space<vmem>> -> memref<1x400xi32, #tpu.memory_space<vmem>>
    %dma_start3A_11 = tpu.memref_squeeze %dma_start3A_10 : memref<1x400xi32, #tpu.memory_space<vmem>> -> memref<400xi32, #tpu.memory_space<vmem>>
    %dma_start3A_12 = arith.constant 0 : i32
    %dma_start3A_13 = tpu.memref_slice %arg2[%add3A_7, %dma_start3A_12] : memref<2048x400xi32, #tpu.memory_space<hbm>> -> memref<1x400xi32, #tpu.memory_space<hbm>>
    %dma_start3A_14 = tpu.memref_squeeze %dma_start3A_13 : memref<1x400xi32, #tpu.memory_space<hbm>> -> memref<400xi32, #tpu.memory_space<hbm>>
    %dma_start3A_15 = tpu.memref_slice %arg18[%dma_start3A_8] : memref<2x!tpu.dma_semaphore, #tpu.memory_space<semaphore_mem>> -> memref<1x!tpu.dma_semaphore, #tpu.memory_space<semaphore_mem>>
    %dma_start3A_16 = tpu.memref_squeeze %dma_start3A_15 : memref<1x!tpu.dma_semaphore, #tpu.memory_space<semaphore_mem>> -> memref<!tpu.dma_semaphore, #tpu.memory_space<semaphore_mem>>
    %dma_start3A_17 = arith.constant 0 : i32
    %dma_start3A_18 = tpu.memref_slice %arg12[%dma_start3A, %dma_start3A_17] : memref<2x400xi32, #tpu.memory_space<vmem>> -> memref<1x400xi32, #tpu.memory_space<vmem>>
    %dma_start3A_19 = tpu.memref_squeeze %dma_start3A_18 : memref<1x400xi32, #tpu.memory_space<vmem>> -> memref<400xi32, #tpu.memory_space<vmem>>
    %dma_start3A_20 = arith.constant 0 : i32
    %dma_start3A_21 = tpu.memref_slice %arg2[%add3A_7, %dma_start3A_20] : memref<2048x400xi32, #tpu.memory_space<hbm>> -> memref<1x400xi32, #tpu.memory_space<hbm>>
    %dma_start3A_22 = tpu.memref_squeeze %dma_start3A_21 : memref<1x400xi32, #tpu.memory_space<hbm>> -> memref<400xi32, #tpu.memory_space<hbm>>
    tpu.enqueue_dma source(%dma_start3A_22 : memref<400xi32, #tpu.memory_space<hbm>>) target(%dma_start3A_19 : memref<400xi32, #tpu.memory_space<vmem>>) target_semaphore(%dma_start3A_16 : memref<!tpu.dma_semaphore, #tpu.memory_space<semaphore_mem>>)
    %dma_start3A_23 = arith.constant 0 : i32
    %dma_start3A_24 = arith.constant 0 : i32
    %dma_start3A_25 = arith.constant 0 : i32
    %dma_start3A_26 = tpu.memref_slice %arg13[%dma_start3A_23, %dma_start3A_25] : memref<2x400xi32, #tpu.memory_space<vmem>> -> memref<1x400xi32, #tpu.memory_space<vmem>>
    %dma_start3A_27 = tpu.memref_squeeze %dma_start3A_26 : memref<1x400xi32, #tpu.memory_space<vmem>> -> memref<400xi32, #tpu.memory_space<vmem>>
    %dma_start3A_28 = arith.constant 0 : i32
    %dma_start3A_29 = tpu.memref_slice %arg3[%add3A_7, %dma_start3A_28] : memref<2048x400xi32, #tpu.memory_space<hbm>> -> memref<1x400xi32, #tpu.memory_space<hbm>>
    %dma_start3A_30 = tpu.memref_squeeze %dma_start3A_29 : memref<1x400xi32, #tpu.memory_space<hbm>> -> memref<400xi32, #tpu.memory_space<hbm>>
    %dma_start3A_31 = tpu.memref_slice %arg18[%dma_start3A_24] : memref<2x!tpu.dma_semaphore, #tpu.memory_space<semaphore_mem>> -> memref<1x!tpu.dma_semaphore, #tpu.memory_space<semaphore_mem>>
    %dma_start3A_32 = tpu.memref_squeeze %dma_start3A_31 : memref<1x!tpu.dma_semaphore, #tpu.memory_space<semaphore_mem>> -> memref<!tpu.dma_semaphore, #tpu.memory_space<semaphore_mem>>
    %dma_start3A_33 = arith.constant 0 : i32
    %dma_start3A_34 = tpu.memref_slice %arg13[%dma_start3A_23, %dma_start3A_33] : memref<2x400xi32, #tpu.memory_space<vmem>> -> memref<1x400xi32, #tpu.memory_space<vmem>>
    %dma_start3A_35 = tpu.memref_squeeze %dma_start3A_34 : memref<1x400xi32, #tpu.memory_space<vmem>> -> memref<400xi32, #tpu.memory_space<vmem>>
    %dma_start3A_36 = arith.constant 0 : i32
    %dma_start3A_37 = tpu.memref_slice %arg3[%add3A_7, %dma_start3A_36] : memref<2048x400xi32, #tpu.memory_space<hbm>> -> memref<1x400xi32, #tpu.memory_space<hbm>>
    %dma_start3A_38 = tpu.memref_squeeze %dma_start3A_37 : memref<1x400xi32, #tpu.memory_space<hbm>> -> memref<400xi32, #tpu.memory_space<hbm>>
    tpu.enqueue_dma source(%dma_start3A_38 : memref<400xi32, #tpu.memory_space<hbm>>) target(%dma_start3A_35 : memref<400xi32, #tpu.memory_space<vmem>>) target_semaphore(%dma_start3A_32 : memref<!tpu.dma_semaphore, #tpu.memory_space<semaphore_mem>>)
    %dma_start3A_39 = arith.constant 0 : i32
    %dma_start3A_40 = arith.constant 0 : i32
    %dma_start3A_41 = arith.constant 0 : i32
    %dma_start3A_42 = tpu.memref_slice %arg14[%dma_start3A_39, %dma_start3A_41] : memref<2x400xi32, #tpu.memory_space<vmem>> -> memref<1x400xi32, #tpu.memory_space<vmem>>
    %dma_start3A_43 = tpu.memref_squeeze %dma_start3A_42 : memref<1x400xi32, #tpu.memory_space<vmem>> -> memref<400xi32, #tpu.memory_space<vmem>>
    %dma_start3A_44 = arith.constant 0 : i32
    %dma_start3A_45 = tpu.memref_slice %arg4[%add3A_7, %dma_start3A_44] : memref<2048x400xi32, #tpu.memory_space<hbm>> -> memref<1x400xi32, #tpu.memory_space<hbm>>
    %dma_start3A_46 = tpu.memref_squeeze %dma_start3A_45 : memref<1x400xi32, #tpu.memory_space<hbm>> -> memref<400xi32, #tpu.memory_space<hbm>>
    %dma_start3A_47 = tpu.memref_slice %arg18[%dma_start3A_40] : memref<2x!tpu.dma_semaphore, #tpu.memory_space<semaphore_mem>> -> memref<1x!tpu.dma_semaphore, #tpu.memory_space<semaphore_mem>>
    %dma_start3A_48 = tpu.memref_squeeze %dma_start3A_47 : memref<1x!tpu.dma_semaphore, #tpu.memory_space<semaphore_mem>> -> memref<!tpu.dma_semaphore, #tpu.memory_space<semaphore_mem>>
    %dma_start3A_49 = arith.constant 0 : i32
    %dma_start3A_50 = tpu.memref_slice %arg14[%dma_start3A_39, %dma_start3A_49] : memref<2x400xi32, #tpu.memory_space<vmem>> -> memref<1x400xi32, #tpu.memory_space<vmem>>
    %dma_start3A_51 = tpu.memref_squeeze %dma_start3A_50 : memref<1x400xi32, #tpu.memory_space<vmem>> -> memref<400xi32, #tpu.memory_space<vmem>>
    %dma_start3A_52 = arith.constant 0 : i32
    %dma_start3A_53 = tpu.memref_slice %arg4[%add3A_7, %dma_start3A_52] : memref<2048x400xi32, #tpu.memory_space<hbm>> -> memref<1x400xi32, #tpu.memory_space<hbm>>
    %dma_start3A_54 = tpu.memref_squeeze %dma_start3A_53 : memref<1x400xi32, #tpu.memory_space<hbm>> -> memref<400xi32, #tpu.memory_space<hbm>>
    tpu.enqueue_dma source(%dma_start3A_54 : memref<400xi32, #tpu.memory_space<hbm>>) target(%dma_start3A_51 : memref<400xi32, #tpu.memory_space<vmem>>) target_semaphore(%dma_start3A_48 : memref<!tpu.dma_semaphore, #tpu.memory_space<semaphore_mem>>)
    %scan3A = arith.constant 0 : i32
    %scan3A_55 = arith.constant 0 : i32
    %scan3A_56 = arith.constant 32 : i32
    %scan3A_57 = arith.addi %scan3A_55, %scan3A_56 : i32
    %scan3A_58 = arith.constant 1 : i32
    scf.for %scan3A_316 = %scan3A_55 to %scan3A_57 step %scan3A_58  : i32 {
      %mul3A_317 = arith.constant 2 : i32
      %mul3A_318 = arith.muli %mul3A_317, %scan3A_316 : i32
      %dma_wait3A_319 = arith.constant 0 : i32
      %dma_wait3A_320 = arith.constant 0 : i32
      %dma_wait3A_321 = arith.constant 0 : i32
      %dma_wait3A_322 = arith.constant 0 : i32
      %dma_wait3A_323 = tpu.memref_slice %arg12[%dma_wait3A_320, %dma_wait3A_322] : memref<2x400xi32, #tpu.memory_space<vmem>> -> memref<1x400xi32, #tpu.memory_space<vmem>>
      %dma_wait3A_324 = tpu.memref_squeeze %dma_wait3A_323 : memref<1x400xi32, #tpu.memory_space<vmem>> -> memref<400xi32, #tpu.memory_space<vmem>>
      %dma_wait3A_325 = arith.constant 0 : i32
      %dma_wait3A_326 = tpu.memref_slice %arg2[%dma_wait3A_319, %dma_wait3A_325] : memref<2048x400xi32, #tpu.memory_space<hbm>> -> memref<1x400xi32, #tpu.memory_space<hbm>>
      %dma_wait3A_327 = tpu.memref_squeeze %dma_wait3A_326 : memref<1x400xi32, #tpu.memory_space<hbm>> -> memref<400xi32, #tpu.memory_space<hbm>>
      %dma_wait3A_328 = tpu.memref_slice %arg18[%dma_wait3A_321] : memref<2x!tpu.dma_semaphore, #tpu.memory_space<semaphore_mem>> -> memref<1x!tpu.dma_semaphore, #tpu.memory_space<semaphore_mem>>
      %dma_wait3A_329 = tpu.memref_squeeze %dma_wait3A_328 : memref<1x!tpu.dma_semaphore, #tpu.memory_space<semaphore_mem>> -> memref<!tpu.dma_semaphore, #tpu.memory_space<semaphore_mem>>
      %dma_wait3A_330 = arith.constant 0 : i32
      %dma_wait3A_331 = tpu.memref_slice %arg12[%dma_wait3A_320, %dma_wait3A_330] : memref<2x400xi32, #tpu.memory_space<vmem>> -> memref<1x400xi32, #tpu.memory_space<vmem>>
      %dma_wait3A_332 = tpu.memref_squeeze %dma_wait3A_331 : memref<1x400xi32, #tpu.memory_space<vmem>> -> memref<400xi32, #tpu.memory_space<vmem>>
      %dma_wait3A_333 = arith.constant 0 : i32
      %dma_wait3A_334 = tpu.memref_slice %arg2[%dma_wait3A_319, %dma_wait3A_333] : memref<2048x400xi32, #tpu.memory_space<hbm>> -> memref<1x400xi32, #tpu.memory_space<hbm>>
      %dma_wait3A_335 = tpu.memref_squeeze %dma_wait3A_334 : memref<1x400xi32, #tpu.memory_space<hbm>> -> memref<400xi32, #tpu.memory_space<hbm>>
      tpu.wait_dma2 semaphore(%dma_wait3A_329 : memref<!tpu.dma_semaphore, #tpu.memory_space<semaphore_mem>>) src(%dma_wait3A_335 : memref<400xi32, #tpu.memory_space<hbm>>) dst(%dma_wait3A_332 : memref<400xi32, #tpu.memory_space<vmem>>)
      %dma_wait3A_336 = arith.constant 0 : i32
      %dma_wait3A_337 = arith.constant 0 : i32
      %dma_wait3A_338 = arith.constant 0 : i32
      %dma_wait3A_339 = arith.constant 0 : i32
      %dma_wait3A_340 = tpu.memref_slice %arg13[%dma_wait3A_337, %dma_wait3A_339] : memref<2x400xi32, #tpu.memory_space<vmem>> -> memref<1x400xi32, #tpu.memory_space<vmem>>
      %dma_wait3A_341 = tpu.memref_squeeze %dma_wait3A_340 : memref<1x400xi32, #tpu.memory_space<vmem>> -> memref<400xi32, #tpu.memory_space<vmem>>
      %dma_wait3A_342 = arith.constant 0 : i32
      %dma_wait3A_343 = tpu.memref_slice %arg3[%dma_wait3A_336, %dma_wait3A_342] : memref<2048x400xi32, #tpu.memory_space<hbm>> -> memref<1x400xi32, #tpu.memory_space<hbm>>
      %dma_wait3A_344 = tpu.memref_squeeze %dma_wait3A_343 : memref<1x400xi32, #tpu.memory_space<hbm>> -> memref<400xi32, #tpu.memory_space<hbm>>
      %dma_wait3A_345 = tpu.memref_slice %arg18[%dma_wait3A_338] : memref<2x!tpu.dma_semaphore, #tpu.memory_space<semaphore_mem>> -> memref<1x!tpu.dma_semaphore, #tpu.memory_space<semaphore_mem>>
      %dma_wait3A_346 = tpu.memref_squeeze %dma_wait3A_345 : memref<1x!tpu.dma_semaphore, #tpu.memory_space<semaphore_mem>> -> memref<!tpu.dma_semaphore, #tpu.memory_space<semaphore_mem>>
      %dma_wait3A_347 = arith.constant 0 : i32
      %dma_wait3A_348 = tpu.memref_slice %arg13[%dma_wait3A_337, %dma_wait3A_347] : memref<2x400xi32, #tpu.memory_space<vmem>> -> memref<1x400xi32, #tpu.memory_space<vmem>>
      %dma_wait3A_349 = tpu.memref_squeeze %dma_wait3A_348 : memref<1x400xi32, #tpu.memory_space<vmem>> -> memref<400xi32, #tpu.memory_space<vmem>>
      %dma_wait3A_350 = arith.constant 0 : i32
      %dma_wait3A_351 = tpu.memref_slice %arg3[%dma_wait3A_336, %dma_wait3A_350] : memref<2048x400xi32, #tpu.memory_space<hbm>> -> memref<1x400xi32, #tpu.memory_space<hbm>>
      %dma_wait3A_352 = tpu.memref_squeeze %dma_wait3A_351 : memref<1x400xi32, #tpu.memory_space<hbm>> -> memref<400xi32, #tpu.memory_space<hbm>>
      tpu.wait_dma2 semaphore(%dma_wait3A_346 : memref<!tpu.dma_semaphore, #tpu.memory_space<semaphore_mem>>) src(%dma_wait3A_352 : memref<400xi32, #tpu.memory_space<hbm>>) dst(%dma_wait3A_349 : memref<400xi32, #tpu.memory_space<vmem>>)
      %dma_wait3A_353 = arith.constant 0 : i32
      %dma_wait3A_354 = arith.constant 0 : i32
      %dma_wait3A_355 = arith.constant 0 : i32
      %dma_wait3A_356 = arith.constant 0 : i32
      %dma_wait3A_357 = tpu.memref_slice %arg14[%dma_wait3A_354, %dma_wait3A_356] : memref<2x400xi32, #tpu.memory_space<vmem>> -> memref<1x400xi32, #tpu.memory_space<vmem>>
      %dma_wait3A_358 = tpu.memref_squeeze %dma_wait3A_357 : memref<1x400xi32, #tpu.memory_space<vmem>> -> memref<400xi32, #tpu.memory_space<vmem>>
      %dma_wait3A_359 = arith.constant 0 : i32
      %dma_wait3A_360 = tpu.memref_slice %arg4[%dma_wait3A_353, %dma_wait3A_359] : memref<2048x400xi32, #tpu.memory_space<hbm>> -> memref<1x400xi32, #tpu.memory_space<hbm>>
      %dma_wait3A_361 = tpu.memref_squeeze %dma_wait3A_360 : memref<1x400xi32, #tpu.memory_space<hbm>> -> memref<400xi32, #tpu.memory_space<hbm>>
      %dma_wait3A_362 = tpu.memref_slice %arg18[%dma_wait3A_355] : memref<2x!tpu.dma_semaphore, #tpu.memory_space<semaphore_mem>> -> memref<1x!tpu.dma_semaphore, #tpu.memory_space<semaphore_mem>>
      %dma_wait3A_363 = tpu.memref_squeeze %dma_wait3A_362 : memref<1x!tpu.dma_semaphore, #tpu.memory_space<semaphore_mem>> -> memref<!tpu.dma_semaphore, #tpu.memory_space<semaphore_mem>>
      %dma_wait3A_364 = arith.constant 0 : i32
      %dma_wait3A_365 = tpu.memref_slice %arg14[%dma_wait3A_354, %dma_wait3A_364] : memref<2x400xi32, #tpu.memory_space<vmem>> -> memref<1x400xi32, #tpu.memory_space<vmem>>
      %dma_wait3A_366 = tpu.memref_squeeze %dma_wait3A_365 : memref<1x400xi32, #tpu.memory_space<vmem>> -> memref<400xi32, #tpu.memory_space<vmem>>
      %dma_wait3A_367 = arith.constant 0 : i32
      %dma_wait3A_368 = tpu.memref_slice %arg4[%dma_wait3A_353, %dma_wait3A_367] : memref<2048x400xi32, #tpu.memory_space<hbm>> -> memref<1x400xi32, #tpu.memory_space<hbm>>
      %dma_wait3A_369 = tpu.memref_squeeze %dma_wait3A_368 : memref<1x400xi32, #tpu.memory_space<hbm>> -> memref<400xi32, #tpu.memory_space<hbm>>
      tpu.wait_dma2 semaphore(%dma_wait3A_363 : memref<!tpu.dma_semaphore, #tpu.memory_space<semaphore_mem>>) src(%dma_wait3A_369 : memref<400xi32, #tpu.memory_space<hbm>>) dst(%dma_wait3A_366 : memref<400xi32, #tpu.memory_space<vmem>>)
      %ge3A = arith.constant 2 : i32
      %ge3A_370 = arith.cmpi sge, %mul3A_318, %ge3A : i32
      %convert_element_type3A_371 = arith.extui %ge3A_370 : i1 to i32
      %cond3A_372 = arith.constant 0 : i32
      %cond3A_373 = arith.constant 0 : i32
      %cond3A_374 = arith.constant 0 : i32
      %cond3A_375 = arith.constant 0 : i32
      %cond3A_376 = arith.cmpi ne, %convert_element_type3A_371, %cond3A_375 : i32
      scf.if %cond3A_376 {
        %dma_wait3A_556 = arith.constant 0 : i32
        %dma_wait3A_557 = arith.constant 0 : i32
        %dma_wait3A_558 = arith.constant 0 : i32
        %dma_wait3A_559 = tpu.memref_slice %arg15[%cond3A_372, %dma_wait3A_557, %dma_wait3A_558] : memref<2x400x64xf32, #tpu.memory_space<vmem>> -> memref<1x400x64xf32, #tpu.memory_space<vmem>>
        %dma_wait3A_560 = tpu.memref_squeeze %dma_wait3A_559 : memref<1x400x64xf32, #tpu.memory_space<vmem>> -> memref<400x64xf32, #tpu.memory_space<vmem>>
        %dma_wait3A_561 = arith.constant 0 : i32
        %dma_wait3A_562 = arith.constant 0 : i32
        %dma_wait3A_563 = tpu.memref_slice %arg8[%dma_wait3A_561, %dma_wait3A_562] : memref<819200x128xf32, #tpu.memory_space<hbm>> -> memref<400x64xf32, #tpu.memory_space<hbm>>
        %dma_wait3A_564 = tpu.memref_slice %arg20[%dma_wait3A_556] : memref<2x!tpu.dma_semaphore, #tpu.memory_space<semaphore_mem>> -> memref<1x!tpu.dma_semaphore, #tpu.memory_space<semaphore_mem>>
        %dma_wait3A_565 = tpu.memref_squeeze %dma_wait3A_564 : memref<1x!tpu.dma_semaphore, #tpu.memory_space<semaphore_mem>> -> memref<!tpu.dma_semaphore, #tpu.memory_space<semaphore_mem>>
        %dma_wait3A_566 = arith.constant 0 : i32
        %dma_wait3A_567 = arith.constant 0 : i32
        %dma_wait3A_568 = tpu.memref_slice %arg8[%dma_wait3A_566, %dma_wait3A_567] : memref<819200x128xf32, #tpu.memory_space<hbm>> -> memref<400x64xf32, #tpu.memory_space<hbm>>
        %dma_wait3A_569 = arith.constant 0 : i32
        %dma_wait3A_570 = arith.constant 0 : i32
        %dma_wait3A_571 = tpu.memref_slice %arg15[%cond3A_372, %dma_wait3A_569, %dma_wait3A_570] : memref<2x400x64xf32, #tpu.memory_space<vmem>> -> memref<1x400x64xf32, #tpu.memory_space<vmem>>
        %dma_wait3A_572 = tpu.memref_squeeze %dma_wait3A_571 : memref<1x400x64xf32, #tpu.memory_space<vmem>> -> memref<400x64xf32, #tpu.memory_space<vmem>>
        tpu.wait_dma2 semaphore(%dma_wait3A_565 : memref<!tpu.dma_semaphore, #tpu.memory_space<semaphore_mem>>) src(%dma_wait3A_572 : memref<400x64xf32, #tpu.memory_space<vmem>>) dst(%dma_wait3A_568 : memref<400x64xf32, #tpu.memory_space<hbm>>)
        %dma_wait3A_573 = arith.constant 0 : i32
        %dma_wait3A_574 = arith.constant 0 : i32
        %dma_wait3A_575 = arith.constant 0 : i32
        %dma_wait3A_576 = tpu.memref_slice %arg16[%cond3A_373, %dma_wait3A_574, %dma_wait3A_575] : memref<2x400x32xf32, #tpu.memory_space<vmem>> -> memref<1x400x32xf32, #tpu.memory_space<vmem>>
        %dma_wait3A_577 = tpu.memref_squeeze %dma_wait3A_576 : memref<1x400x32xf32, #tpu.memory_space<vmem>> -> memref<400x32xf32, #tpu.memory_space<vmem>>
        %dma_wait3A_578 = arith.constant 0 : i32
        %dma_wait3A_579 = arith.constant 64 : i32
        %dma_wait3A_580 = tpu.memref_slice %arg8[%dma_wait3A_578, %dma_wait3A_579] : memref<819200x128xf32, #tpu.memory_space<hbm>> -> memref<400x32xf32, #tpu.memory_space<hbm>>
        %dma_wait3A_581 = tpu.memref_slice %arg20[%dma_wait3A_573] : memref<2x!tpu.dma_semaphore, #tpu.memory_space<semaphore_mem>> -> memref<1x!tpu.dma_semaphore, #tpu.memory_space<semaphore_mem>>
        %dma_wait3A_582 = tpu.memref_squeeze %dma_wait3A_581 : memref<1x!tpu.dma_semaphore, #tpu.memory_space<semaphore_mem>> -> memref<!tpu.dma_semaphore, #tpu.memory_space<semaphore_mem>>
        %dma_wait3A_583 = arith.constant 0 : i32
        %dma_wait3A_584 = arith.constant 64 : i32
        %dma_wait3A_585 = tpu.memref_slice %arg8[%dma_wait3A_583, %dma_wait3A_584] : memref<819200x128xf32, #tpu.memory_space<hbm>> -> memref<400x32xf32, #tpu.memory_space<hbm>>
        %dma_wait3A_586 = arith.constant 0 : i32
        %dma_wait3A_587 = arith.constant 0 : i32
        %dma_wait3A_588 = tpu.memref_slice %arg16[%cond3A_373, %dma_wait3A_586, %dma_wait3A_587] : memref<2x400x32xf32, #tpu.memory_space<vmem>> -> memref<1x400x32xf32, #tpu.memory_space<vmem>>
        %dma_wait3A_589 = tpu.memref_squeeze %dma_wait3A_588 : memref<1x400x32xf32, #tpu.memory_space<vmem>> -> memref<400x32xf32, #tpu.memory_space<vmem>>
        tpu.wait_dma2 semaphore(%dma_wait3A_582 : memref<!tpu.dma_semaphore, #tpu.memory_space<semaphore_mem>>) src(%dma_wait3A_589 : memref<400x32xf32, #tpu.memory_space<vmem>>) dst(%dma_wait3A_585 : memref<400x32xf32, #tpu.memory_space<hbm>>)
        %dma_wait3A_590 = arith.constant 0 : i32
        %dma_wait3A_591 = arith.constant 0 : i32
        %dma_wait3A_592 = arith.constant 0 : i32
        %dma_wait3A_593 = tpu.memref_slice %arg17[%cond3A_374, %dma_wait3A_591, %dma_wait3A_592] : memref<2x400x32xf32, #tpu.memory_space<vmem>> -> memref<1x400x32xf32, #tpu.memory_space<vmem>>
        %dma_wait3A_594 = tpu.memref_squeeze %dma_wait3A_593 : memref<1x400x32xf32, #tpu.memory_space<vmem>> -> memref<400x32xf32, #tpu.memory_space<vmem>>
        %dma_wait3A_595 = arith.constant 0 : i32
        %dma_wait3A_596 = arith.constant 96 : i32
        %dma_wait3A_597 = tpu.memref_slice %arg8[%dma_wait3A_595, %dma_wait3A_596] : memref<819200x128xf32, #tpu.memory_space<hbm>> -> memref<400x32xf32, #tpu.memory_space<hbm>>
        %dma_wait3A_598 = tpu.memref_slice %arg20[%dma_wait3A_590] : memref<2x!tpu.dma_semaphore, #tpu.memory_space<semaphore_mem>> -> memref<1x!tpu.dma_semaphore, #tpu.memory_space<semaphore_mem>>
        %dma_wait3A_599 = tpu.memref_squeeze %dma_wait3A_598 : memref<1x!tpu.dma_semaphore, #tpu.memory_space<semaphore_mem>> -> memref<!tpu.dma_semaphore, #tpu.memory_space<semaphore_mem>>
        %dma_wait3A_600 = arith.constant 0 : i32
        %dma_wait3A_601 = arith.constant 96 : i32
        %dma_wait3A_602 = tpu.memref_slice %arg8[%dma_wait3A_600, %dma_wait3A_601] : memref<819200x128xf32, #tpu.memory_space<hbm>> -> memref<400x32xf32, #tpu.memory_space<hbm>>
        %dma_wait3A_603 = arith.constant 0 : i32
        %dma_wait3A_604 = arith.constant 0 : i32
        %dma_wait3A_605 = tpu.memref_slice %arg17[%cond3A_374, %dma_wait3A_603, %dma_wait3A_604] : memref<2x400x32xf32, #tpu.memory_space<vmem>> -> memref<1x400x32xf32, #tpu.memory_space<vmem>>
        %dma_wait3A_606 = tpu.memref_squeeze %dma_wait3A_605 : memref<1x400x32xf32, #tpu.memory_space<vmem>> -> memref<400x32xf32, #tpu.memory_space<vmem>>
        tpu.wait_dma2 semaphore(%dma_wait3A_599 : memref<!tpu.dma_semaphore, #tpu.memory_space<semaphore_mem>>) src(%dma_wait3A_606 : memref<400x32xf32, #tpu.memory_space<vmem>>) dst(%dma_wait3A_602 : memref<400x32xf32, #tpu.memory_space<hbm>>)
      } else {
      }
      %dma_start3A_377 = arith.constant 0 : i32
      %dma_start3A_378 = arith.constant 0 : i32
      %dma_start3A_379 = arith.constant 0 : i32
      %dma_start3A_380 = arith.constant 0 : i32
      %dma_start3A_381 = arith.constant 0 : i32
      %dma_start3A_382 = tpu.memref_slice %arg15[%dma_start3A_378, %dma_start3A_380, %dma_start3A_381] : memref<2x400x64xf32, #tpu.memory_space<vmem>> -> memref<1x400x64xf32, #tpu.memory_space<vmem>>
      %dma_start3A_383 = tpu.memref_squeeze %dma_start3A_382 : memref<1x400x64xf32, #tpu.memory_space<vmem>> -> memref<400x64xf32, #tpu.memory_space<vmem>>
      %dma_start3A_384 = arith.constant 0 : i32
      %dma_start3A_385 = tpu.memref_slice %arg12[%dma_start3A_377, %dma_start3A_384] : memref<2x400xi32, #tpu.memory_space<vmem>> -> memref<1x400xi32, #tpu.memory_space<vmem>>
      %dma_start3A_386 = tpu.memref_squeeze %dma_start3A_385 : memref<1x400xi32, #tpu.memory_space<vmem>> -> memref<400xi32, #tpu.memory_space<vmem>>
      %dma_start3A_387 = arith.constant 0 : i32
      %dma_start3A_388 = arith.constant 0 : i32
      %dma_start3A_389 = tpu.memref_slice %arg9[%dma_start3A_387, %dma_start3A_388] : memref<2048x64xf32, #tpu.memory_space<vmem_shared>> -> memref<2048x64xf32, #tpu.memory_space<vmem_shared>>
      %dma_start3A_390 = tpu.memref_slice %arg19[%dma_start3A_379] : memref<2x!tpu.dma_semaphore, #tpu.memory_space<semaphore_mem>> -> memref<1x!tpu.dma_semaphore, #tpu.memory_space<semaphore_mem>>
      %dma_start3A_391 = tpu.memref_squeeze %dma_start3A_390 : memref<1x!tpu.dma_semaphore, #tpu.memory_space<semaphore_mem>> -> memref<!tpu.dma_semaphore, #tpu.memory_space<semaphore_mem>>
      tpu.enqueue_indirect_dma source(%dma_start3A_389 : memref<2048x64xf32, #tpu.memory_space<vmem_shared>>) target(%dma_start3A_383 : memref<400x64xf32, #tpu.memory_space<vmem>>) offsets(%dma_start3A_386 : memref<400xi32, #tpu.memory_space<vmem>>) semaphore(%dma_start3A_391 : memref<!tpu.dma_semaphore, #tpu.memory_space<semaphore_mem>>)
      %dma_start3A_392 = arith.constant 0 : i32
      %dma_start3A_393 = arith.constant 0 : i32
      %dma_start3A_394 = arith.constant 0 : i32
      %dma_start3A_395 = arith.constant 0 : i32
      %dma_start3A_396 = arith.constant 0 : i32
      %dma_start3A_397 = tpu.memref_slice %arg16[%dma_start3A_393, %dma_start3A_395, %dma_start3A_396] : memref<2x400x32xf32, #tpu.memory_space<vmem>> -> memref<1x400x32xf32, #tpu.memory_space<vmem>>
      %dma_start3A_398 = tpu.memref_squeeze %dma_start3A_397 : memref<1x400x32xf32, #tpu.memory_space<vmem>> -> memref<400x32xf32, #tpu.memory_space<vmem>>
      %dma_start3A_399 = arith.constant 0 : i32
      %dma_start3A_400 = tpu.memref_slice %arg13[%dma_start3A_392, %dma_start3A_399] : memref<2x400xi32, #tpu.memory_space<vmem>> -> memref<1x400xi32, #tpu.memory_space<vmem>>
      %dma_start3A_401 = tpu.memref_squeeze %dma_start3A_400 : memref<1x400xi32, #tpu.memory_space<vmem>> -> memref<400xi32, #tpu.memory_space<vmem>>
      %dma_start3A_402 = arith.constant 0 : i32
      %dma_start3A_403 = arith.constant 0 : i32
      %dma_start3A_404 = tpu.memref_slice %arg10[%dma_start3A_402, %dma_start3A_403] : memref<2048x32xf32, #tpu.memory_space<vmem_shared>> -> memref<2048x32xf32, #tpu.memory_space<vmem_shared>>
      %dma_start3A_405 = tpu.memref_slice %arg19[%dma_start3A_394] : memref<2x!tpu.dma_semaphore, #tpu.memory_space<semaphore_mem>> -> memref<1x!tpu.dma_semaphore, #tpu.memory_space<semaphore_mem>>
      %dma_start3A_406 = tpu.memref_squeeze %dma_start3A_405 : memref<1x!tpu.dma_semaphore, #tpu.memory_space<semaphore_mem>> -> memref<!tpu.dma_semaphore, #tpu.memory_space<semaphore_mem>>
      tpu.enqueue_indirect_dma source(%dma_start3A_404 : memref<2048x32xf32, #tpu.memory_space<vmem_shared>>) target(%dma_start3A_398 : memref<400x32xf32, #tpu.memory_space<vmem>>) offsets(%dma_start3A_401 : memref<400xi32, #tpu.memory_space<vmem>>) semaphore(%dma_start3A_406 : memref<!tpu.dma_semaphore, #tpu.memory_space<semaphore_mem>>)
      %dma_start3A_407 = arith.constant 0 : i32
      %dma_start3A_408 = arith.constant 0 : i32
      %dma_start3A_409 = arith.constant 0 : i32
      %dma_start3A_410 = arith.constant 0 : i32
      %dma_start3A_411 = arith.constant 0 : i32
      %dma_start3A_412 = tpu.memref_slice %arg17[%dma_start3A_408, %dma_start3A_410, %dma_start3A_411] : memref<2x400x32xf32, #tpu.memory_space<vmem>> -> memref<1x400x32xf32, #tpu.memory_space<vmem>>
      %dma_start3A_413 = tpu.memref_squeeze %dma_start3A_412 : memref<1x400x32xf32, #tpu.memory_space<vmem>> -> memref<400x32xf32, #tpu.memory_space<vmem>>
      %dma_start3A_414 = arith.constant 0 : i32
      %dma_start3A_415 = tpu.memref_slice %arg14[%dma_start3A_407, %dma_start3A_414] : memref<2x400xi32, #tpu.memory_space<vmem>> -> memref<1x400xi32, #tpu.memory_space<vmem>>
      %dma_start3A_416 = tpu.memref_squeeze %dma_start3A_415 : memref<1x400xi32, #tpu.memory_space<vmem>> -> memref<400xi32, #tpu.memory_space<vmem>>
      %dma_start3A_417 = arith.constant 0 : i32
      %dma_start3A_418 = arith.constant 0 : i32
      %dma_start3A_419 = tpu.memref_slice %arg11[%dma_start3A_417, %dma_start3A_418] : memref<512x32xf32, #tpu.memory_space<vmem_shared>> -> memref<512x32xf32, #tpu.memory_space<vmem_shared>>
      %dma_start3A_420 = tpu.memref_slice %arg19[%dma_start3A_409] : memref<2x!tpu.dma_semaphore, #tpu.memory_space<semaphore_mem>> -> memref<1x!tpu.dma_semaphore, #tpu.memory_space<semaphore_mem>>
      %dma_start3A_421 = tpu.memref_squeeze %dma_start3A_420 : memref<1x!tpu.dma_semaphore, #tpu.memory_space<semaphore_mem>> -> memref<!tpu.dma_semaphore, #tpu.memory_space<semaphore_mem>>
      tpu.enqueue_indirect_dma source(%dma_start3A_419 : memref<512x32xf32, #tpu.memory_space<vmem_shared>>) target(%dma_start3A_413 : memref<400x32xf32, #tpu.memory_space<vmem>>) offsets(%dma_start3A_416 : memref<400xi32, #tpu.memory_space<vmem>>) semaphore(%dma_start3A_421 : memref<!tpu.dma_semaphore, #tpu.memory_space<semaphore_mem>>)
      %ge3A_422 = arith.constant 1 : i32
      %ge3A_423 = arith.cmpi sge, %mul3A_318, %ge3A_422 : i32
      %convert_element_type3A_424 = arith.extui %ge3A_423 : i1 to i32
      %cond3A_425 = arith.constant 1 : i32
      %cond3A_426 = arith.constant 1 : i32
      %cond3A_427 = arith.constant 1 : i32
      %cond3A_428 = arith.constant 0 : i32
      %cond3A_429 = arith.cmpi ne, %convert_element_type3A_424, %cond3A_428 : i32
      scf.if %cond3A_429 {
        %dma_wait3A_556 = arith.constant 1 : i32
        %dma_wait3A_557 = arith.constant 1 : i32
        %dma_wait3A_558 = arith.constant 0 : i32
        %dma_wait3A_559 = arith.constant 0 : i32
        %dma_wait3A_560 = tpu.memref_slice %arg15[%cond3A_425, %dma_wait3A_558, %dma_wait3A_559] : memref<2x400x64xf32, #tpu.memory_space<vmem>> -> memref<1x400x64xf32, #tpu.memory_space<vmem>>
        %dma_wait3A_561 = tpu.memref_squeeze %dma_wait3A_560 : memref<1x400x64xf32, #tpu.memory_space<vmem>> -> memref<400x64xf32, #tpu.memory_space<vmem>>
        %dma_wait3A_562 = arith.constant 0 : i32
        %dma_wait3A_563 = tpu.memref_slice %arg12[%dma_wait3A_556, %dma_wait3A_562] : memref<2x400xi32, #tpu.memory_space<vmem>> -> memref<1x400xi32, #tpu.memory_space<vmem>>
        %dma_wait3A_564 = tpu.memref_squeeze %dma_wait3A_563 : memref<1x400xi32, #tpu.memory_space<vmem>> -> memref<400xi32, #tpu.memory_space<vmem>>
        %dma_wait3A_565 = arith.constant 0 : i32
        %dma_wait3A_566 = arith.constant 0 : i32
        %dma_wait3A_567 = tpu.memref_slice %arg9[%dma_wait3A_565, %dma_wait3A_566] : memref<2048x64xf32, #tpu.memory_space<vmem_shared>> -> memref<2048x64xf32, #tpu.memory_space<vmem_shared>>
        %dma_wait3A_568 = tpu.memref_slice %arg19[%dma_wait3A_557] : memref<2x!tpu.dma_semaphore, #tpu.memory_space<semaphore_mem>> -> memref<1x!tpu.dma_semaphore, #tpu.memory_space<semaphore_mem>>
        %dma_wait3A_569 = tpu.memref_squeeze %dma_wait3A_568 : memref<1x!tpu.dma_semaphore, #tpu.memory_space<semaphore_mem>> -> memref<!tpu.dma_semaphore, #tpu.memory_space<semaphore_mem>>
        tpu.wait_indirect_dma semaphore(%dma_wait3A_569 : memref<!tpu.dma_semaphore, #tpu.memory_space<semaphore_mem>>) src(%dma_wait3A_567 : memref<2048x64xf32, #tpu.memory_space<vmem_shared>>) dst(%dma_wait3A_561 : memref<400x64xf32, #tpu.memory_space<vmem>>)
        %dma_wait3A_570 = arith.constant 1 : i32
        %dma_wait3A_571 = arith.constant 1 : i32
        %dma_wait3A_572 = arith.constant 0 : i32
        %dma_wait3A_573 = arith.constant 0 : i32
        %dma_wait3A_574 = tpu.memref_slice %arg16[%cond3A_426, %dma_wait3A_572, %dma_wait3A_573] : memref<2x400x32xf32, #tpu.memory_space<vmem>> -> memref<1x400x32xf32, #tpu.memory_space<vmem>>
        %dma_wait3A_575 = tpu.memref_squeeze %dma_wait3A_574 : memref<1x400x32xf32, #tpu.memory_space<vmem>> -> memref<400x32xf32, #tpu.memory_space<vmem>>
        %dma_wait3A_576 = arith.constant 0 : i32
        %dma_wait3A_577 = tpu.memref_slice %arg13[%dma_wait3A_570, %dma_wait3A_576] : memref<2x400xi32, #tpu.memory_space<vmem>> -> memref<1x400xi32, #tpu.memory_space<vmem>>
        %dma_wait3A_578 = tpu.memref_squeeze %dma_wait3A_577 : memref<1x400xi32, #tpu.memory_space<vmem>> -> memref<400xi32, #tpu.memory_space<vmem>>
        %dma_wait3A_579 = arith.constant 0 : i32
        %dma_wait3A_580 = arith.constant 0 : i32
        %dma_wait3A_581 = tpu.memref_slice %arg10[%dma_wait3A_579, %dma_wait3A_580] : memref<2048x32xf32, #tpu.memory_space<vmem_shared>> -> memref<2048x32xf32, #tpu.memory_space<vmem_shared>>
        %dma_wait3A_582 = tpu.memref_slice %arg19[%dma_wait3A_571] : memref<2x!tpu.dma_semaphore, #tpu.memory_space<semaphore_mem>> -> memref<1x!tpu.dma_semaphore, #tpu.memory_space<semaphore_mem>>
        %dma_wait3A_583 = tpu.memref_squeeze %dma_wait3A_582 : memref<1x!tpu.dma_semaphore, #tpu.memory_space<semaphore_mem>> -> memref<!tpu.dma_semaphore, #tpu.memory_space<semaphore_mem>>
        tpu.wait_indirect_dma semaphore(%dma_wait3A_583 : memref<!tpu.dma_semaphore, #tpu.memory_space<semaphore_mem>>) src(%dma_wait3A_581 : memref<2048x32xf32, #tpu.memory_space<vmem_shared>>) dst(%dma_wait3A_575 : memref<400x32xf32, #tpu.memory_space<vmem>>)
        %dma_wait3A_584 = arith.constant 1 : i32
        %dma_wait3A_585 = arith.constant 1 : i32
        %dma_wait3A_586 = arith.constant 0 : i32
        %dma_wait3A_587 = arith.constant 0 : i32
        %dma_wait3A_588 = tpu.memref_slice %arg17[%cond3A_427, %dma_wait3A_586, %dma_wait3A_587] : memref<2x400x32xf32, #tpu.memory_space<vmem>> -> memref<1x400x32xf32, #tpu.memory_space<vmem>>
        %dma_wait3A_589 = tpu.memref_squeeze %dma_wait3A_588 : memref<1x400x32xf32, #tpu.memory_space<vmem>> -> memref<400x32xf32, #tpu.memory_space<vmem>>
        %dma_wait3A_590 = arith.constant 0 : i32
        %dma_wait3A_591 = tpu.memref_slice %arg14[%dma_wait3A_584, %dma_wait3A_590] : memref<2x400xi32, #tpu.memory_space<vmem>> -> memref<1x400xi32, #tpu.memory_space<vmem>>
        %dma_wait3A_592 = tpu.memref_squeeze %dma_wait3A_591 : memref<1x400xi32, #tpu.memory_space<vmem>> -> memref<400xi32, #tpu.memory_space<vmem>>
        %dma_wait3A_593 = arith.constant 0 : i32
        %dma_wait3A_594 = arith.constant 0 : i32
        %dma_wait3A_595 = tpu.memref_slice %arg11[%dma_wait3A_593, %dma_wait3A_594] : memref<512x32xf32, #tpu.memory_space<vmem_shared>> -> memref<512x32xf32, #tpu.memory_space<vmem_shared>>
        %dma_wait3A_596 = tpu.memref_slice %arg19[%dma_wait3A_585] : memref<2x!tpu.dma_semaphore, #tpu.memory_space<semaphore_mem>> -> memref<1x!tpu.dma_semaphore, #tpu.memory_space<semaphore_mem>>
        %dma_wait3A_597 = tpu.memref_squeeze %dma_wait3A_596 : memref<1x!tpu.dma_semaphore, #tpu.memory_space<semaphore_mem>> -> memref<!tpu.dma_semaphore, #tpu.memory_space<semaphore_mem>>
        tpu.wait_indirect_dma semaphore(%dma_wait3A_597 : memref<!tpu.dma_semaphore, #tpu.memory_space<semaphore_mem>>) src(%dma_wait3A_595 : memref<512x32xf32, #tpu.memory_space<vmem_shared>>) dst(%dma_wait3A_589 : memref<400x32xf32, #tpu.memory_space<vmem>>)
        %add3A_598 = arith.constant 1 : i32
        %add3A_599 = arith.addi %mul3A_318, %add3A_598 : i32
        %rem3A_600 = arith.constant 64 : i32
        %rem3A_601 = arith.remsi %add3A_599, %rem3A_600 : i32
        %add3A_602 = arith.addi %mul3A_4, %rem3A_601 : i32
        %dma_start3A_603 = arith.constant 1 : i32
        %dma_start3A_604 = arith.constant 1 : i32
        %dma_start3A_605 = arith.constant 0 : i32
        %dma_start3A_606 = tpu.memref_slice %arg12[%dma_start3A_603, %dma_start3A_605] : memref<2x400xi32, #tpu.memory_space<vmem>> -> memref<1x400xi32, #tpu.memory_space<vmem>>
        %dma_start3A_607 = tpu.memref_squeeze %dma_start3A_606 : memref<1x400xi32, #tpu.memory_space<vmem>> -> memref<400xi32, #tpu.memory_space<vmem>>
        %dma_start3A_608 = arith.constant 0 : i32
        %dma_start3A_609 = tpu.memref_slice %arg2[%add3A_602, %dma_start3A_608] : memref<2048x400xi32, #tpu.memory_space<hbm>> -> memref<1x400xi32, #tpu.memory_space<hbm>>
        %dma_start3A_610 = tpu.memref_squeeze %dma_start3A_609 : memref<1x400xi32, #tpu.memory_space<hbm>> -> memref<400xi32, #tpu.memory_space<hbm>>
        %dma_start3A_611 = tpu.memref_slice %arg18[%dma_start3A_604] : memref<2x!tpu.dma_semaphore, #tpu.memory_space<semaphore_mem>> -> memref<1x!tpu.dma_semaphore, #tpu.memory_space<semaphore_mem>>
        %dma_start3A_612 = tpu.memref_squeeze %dma_start3A_611 : memref<1x!tpu.dma_semaphore, #tpu.memory_space<semaphore_mem>> -> memref<!tpu.dma_semaphore, #tpu.memory_space<semaphore_mem>>
        %dma_start3A_613 = arith.constant 0 : i32
        %dma_start3A_614 = tpu.memref_slice %arg12[%dma_start3A_603, %dma_start3A_613] : memref<2x400xi32, #tpu.memory_space<vmem>> -> memref<1x400xi32, #tpu.memory_space<vmem>>
        %dma_start3A_615 = tpu.memref_squeeze %dma_start3A_614 : memref<1x400xi32, #tpu.memory_space<vmem>> -> memref<400xi32, #tpu.memory_space<vmem>>
        %dma_start3A_616 = arith.constant 0 : i32
        %dma_start3A_617 = tpu.memref_slice %arg2[%add3A_602, %dma_start3A_616] : memref<2048x400xi32, #tpu.memory_space<hbm>> -> memref<1x400xi32, #tpu.memory_space<hbm>>
        %dma_start3A_618 = tpu.memref_squeeze %dma_start3A_617 : memref<1x400xi32, #tpu.memory_space<hbm>> -> memref<400xi32, #tpu.memory_space<hbm>>
        tpu.enqueue_dma source(%dma_start3A_618 : memref<400xi32, #tpu.memory_space<hbm>>) target(%dma_start3A_615 : memref<400xi32, #tpu.memory_space<vmem>>) target_semaphore(%dma_start3A_612 : memref<!tpu.dma_semaphore, #tpu.memory_space<semaphore_mem>>)
        %dma_start3A_619 = arith.constant 1 : i32
        %dma_start3A_620 = arith.constant 1 : i32
        %dma_start3A_621 = arith.constant 0 : i32
        %dma_start3A_622 = tpu.memref_slice %arg13[%dma_start3A_619, %dma_start3A_621] : memref<2x400xi32, #tpu.memory_space<vmem>> -> memref<1x400xi32, #tpu.memory_space<vmem>>
        %dma_start3A_623 = tpu.memref_squeeze %dma_start3A_622 : memref<1x400xi32, #tpu.memory_space<vmem>> -> memref<400xi32, #tpu.memory_space<vmem>>
        %dma_start3A_624 = arith.constant 0 : i32
        %dma_start3A_625 = tpu.memref_slice %arg3[%add3A_602, %dma_start3A_624] : memref<2048x400xi32, #tpu.memory_space<hbm>> -> memref<1x400xi32, #tpu.memory_space<hbm>>
        %dma_start3A_626 = tpu.memref_squeeze %dma_start3A_625 : memref<1x400xi32, #tpu.memory_space<hbm>> -> memref<400xi32, #tpu.memory_space<hbm>>
        %dma_start3A_627 = tpu.memref_slice %arg18[%dma_start3A_620] : memref<2x!tpu.dma_semaphore, #tpu.memory_space<semaphore_mem>> -> memref<1x!tpu.dma_semaphore, #tpu.memory_space<semaphore_mem>>
        %dma_start3A_628 = tpu.memref_squeeze %dma_start3A_627 : memref<1x!tpu.dma_semaphore, #tpu.memory_space<semaphore_mem>> -> memref<!tpu.dma_semaphore, #tpu.memory_space<semaphore_mem>>
        %dma_start3A_629 = arith.constant 0 : i32
        %dma_start3A_630 = tpu.memref_slice %arg13[%dma_start3A_619, %dma_start3A_629] : memref<2x400xi32, #tpu.memory_space<vmem>> -> memref<1x400xi32, #tpu.memory_space<vmem>>
        %dma_start3A_631 = tpu.memref_squeeze %dma_start3A_630 : memref<1x400xi32, #tpu.memory_space<vmem>> -> memref<400xi32, #tpu.memory_space<vmem>>
        %dma_start3A_632 = arith.constant 0 : i32
        %dma_start3A_633 = tpu.memref_slice %arg3[%add3A_602, %dma_start3A_632] : memref<2048x400xi32, #tpu.memory_space<hbm>> -> memref<1x400xi32, #tpu.memory_space<hbm>>
        %dma_start3A_634 = tpu.memref_squeeze %dma_start3A_633 : memref<1x400xi32, #tpu.memory_space<hbm>> -> memref<400xi32, #tpu.memory_space<hbm>>
        tpu.enqueue_dma source(%dma_start3A_634 : memref<400xi32, #tpu.memory_space<hbm>>) target(%dma_start3A_631 : memref<400xi32, #tpu.memory_space<vmem>>) target_semaphore(%dma_start3A_628 : memref<!tpu.dma_semaphore, #tpu.memory_space<semaphore_mem>>)
        %dma_start3A_635 = arith.constant 1 : i32
        %dma_start3A_636 = arith.constant 1 : i32
        %dma_start3A_637 = arith.constant 0 : i32
        %dma_start3A_638 = tpu.memref_slice %arg14[%dma_start3A_635, %dma_start3A_637] : memref<2x400xi32, #tpu.memory_space<vmem>> -> memref<1x400xi32, #tpu.memory_space<vmem>>
        %dma_start3A_639 = tpu.memref_squeeze %dma_start3A_638 : memref<1x400xi32, #tpu.memory_space<vmem>> -> memref<400xi32, #tpu.memory_space<vmem>>
        %dma_start3A_640 = arith.constant 0 : i32
        %dma_start3A_641 = tpu.memref_slice %arg4[%add3A_602, %dma_start3A_640] : memref<2048x400xi32, #tpu.memory_space<hbm>> -> memref<1x400xi32, #tpu.memory_space<hbm>>
        %dma_start3A_642 = tpu.memref_squeeze %dma_start3A_641 : memref<1x400xi32, #tpu.memory_space<hbm>> -> memref<400xi32, #tpu.memory_space<hbm>>
        %dma_start3A_643 = tpu.memref_slice %arg18[%dma_start3A_636] : memref<2x!tpu.dma_semaphore, #tpu.memory_space<semaphore_mem>> -> memref<1x!tpu.dma_semaphore, #tpu.memory_space<semaphore_mem>>
        %dma_start3A_644 = tpu.memref_squeeze %dma_start3A_643 : memref<1x!tpu.dma_semaphore, #tpu.memory_space<semaphore_mem>> -> memref<!tpu.dma_semaphore, #tpu.memory_space<semaphore_mem>>
        %dma_start3A_645 = arith.constant 0 : i32
        %dma_start3A_646 = tpu.memref_slice %arg14[%dma_start3A_635, %dma_start3A_645] : memref<2x400xi32, #tpu.memory_space<vmem>> -> memref<1x400xi32, #tpu.memory_space<vmem>>
        %dma_start3A_647 = tpu.memref_squeeze %dma_start3A_646 : memref<1x400xi32, #tpu.memory_space<vmem>> -> memref<400xi32, #tpu.memory_space<vmem>>
        %dma_start3A_648 = arith.constant 0 : i32
        %dma_start3A_649 = tpu.memref_slice %arg4[%add3A_602, %dma_start3A_648] : memref<2048x400xi32, #tpu.memory_space<hbm>> -> memref<1x400xi32, #tpu.memory_space<hbm>>
        %dma_start3A_650 = tpu.memref_squeeze %dma_start3A_649 : memref<1x400xi32, #tpu.memory_space<hbm>> -> memref<400xi32, #tpu.memory_space<hbm>>
        tpu.enqueue_dma source(%dma_start3A_650 : memref<400xi32, #tpu.memory_space<hbm>>) target(%dma_start3A_647 : memref<400xi32, #tpu.memory_space<vmem>>) target_semaphore(%dma_start3A_644 : memref<!tpu.dma_semaphore, #tpu.memory_space<semaphore_mem>>)
        %add3A_651 = arith.addi %mul3A_4, %mul3A_318 : i32
        %sub3A_652 = arith.constant 1 : i32
        %sub3A_653 = arith.subi %add3A_651, %sub3A_652 : i32
        %mul3A_654 = arith.constant 400 : i32
        %mul3A_655 = arith.muli %sub3A_653, %mul3A_654 : i32
        %dma_start3A_656 = arith.constant 1 : i32
        %dma_start3A_657 = arith.constant 0 : i32
        %dma_start3A_658 = arith.constant 0 : i32
        %dma_start3A_659 = tpu.memref_slice %arg15[%cond3A_425, %dma_start3A_657, %dma_start3A_658] : memref<2x400x64xf32, #tpu.memory_space<vmem>> -> memref<1x400x64xf32, #tpu.memory_space<vmem>>
        %dma_start3A_660 = tpu.memref_squeeze %dma_start3A_659 : memref<1x400x64xf32, #tpu.memory_space<vmem>> -> memref<400x64xf32, #tpu.memory_space<vmem>>
        %dma_start3A_661 = arith.constant 0 : i32
        %dma_start3A_662 = tpu.memref_slice %arg8[%mul3A_655, %dma_start3A_661] : memref<819200x128xf32, #tpu.memory_space<hbm>> -> memref<400x64xf32, #tpu.memory_space<hbm>>
        %dma_start3A_663 = tpu.memref_slice %arg20[%dma_start3A_656] : memref<2x!tpu.dma_semaphore, #tpu.memory_space<semaphore_mem>> -> memref<1x!tpu.dma_semaphore, #tpu.memory_space<semaphore_mem>>
        %dma_start3A_664 = tpu.memref_squeeze %dma_start3A_663 : memref<1x!tpu.dma_semaphore, #tpu.memory_space<semaphore_mem>> -> memref<!tpu.dma_semaphore, #tpu.memory_space<semaphore_mem>>
        %dma_start3A_665 = arith.constant 0 : i32
        %dma_start3A_666 = tpu.memref_slice %arg8[%mul3A_655, %dma_start3A_665] : memref<819200x128xf32, #tpu.memory_space<hbm>> -> memref<400x64xf32, #tpu.memory_space<hbm>>
        %dma_start3A_667 = arith.constant 0 : i32
        %dma_start3A_668 = arith.constant 0 : i32
        %dma_start3A_669 = tpu.memref_slice %arg15[%cond3A_425, %dma_start3A_667, %dma_start3A_668] : memref<2x400x64xf32, #tpu.memory_space<vmem>> -> memref<1x400x64xf32, #tpu.memory_space<vmem>>
        %dma_start3A_670 = tpu.memref_squeeze %dma_start3A_669 : memref<1x400x64xf32, #tpu.memory_space<vmem>> -> memref<400x64xf32, #tpu.memory_space<vmem>>
        tpu.enqueue_dma source(%dma_start3A_670 : memref<400x64xf32, #tpu.memory_space<vmem>>) target(%dma_start3A_666 : memref<400x64xf32, #tpu.memory_space<hbm>>) target_semaphore(%dma_start3A_664 : memref<!tpu.dma_semaphore, #tpu.memory_space<semaphore_mem>>)
        %dma_start3A_671 = arith.constant 1 : i32
        %dma_start3A_672 = arith.constant 0 : i32
        %dma_start3A_673 = arith.constant 0 : i32
        %dma_start3A_674 = tpu.memref_slice %arg16[%cond3A_426, %dma_start3A_672, %dma_start3A_673] : memref<2x400x32xf32, #tpu.memory_space<vmem>> -> memref<1x400x32xf32, #tpu.memory_space<vmem>>
        %dma_start3A_675 = tpu.memref_squeeze %dma_start3A_674 : memref<1x400x32xf32, #tpu.memory_space<vmem>> -> memref<400x32xf32, #tpu.memory_space<vmem>>
        %dma_start3A_676 = arith.constant 64 : i32
        %dma_start3A_677 = tpu.memref_slice %arg8[%mul3A_655, %dma_start3A_676] : memref<819200x128xf32, #tpu.memory_space<hbm>> -> memref<400x32xf32, #tpu.memory_space<hbm>>
        %dma_start3A_678 = tpu.memref_slice %arg20[%dma_start3A_671] : memref<2x!tpu.dma_semaphore, #tpu.memory_space<semaphore_mem>> -> memref<1x!tpu.dma_semaphore, #tpu.memory_space<semaphore_mem>>
        %dma_start3A_679 = tpu.memref_squeeze %dma_start3A_678 : memref<1x!tpu.dma_semaphore, #tpu.memory_space<semaphore_mem>> -> memref<!tpu.dma_semaphore, #tpu.memory_space<semaphore_mem>>
        %dma_start3A_680 = arith.constant 64 : i32
        %dma_start3A_681 = tpu.memref_slice %arg8[%mul3A_655, %dma_start3A_680] : memref<819200x128xf32, #tpu.memory_space<hbm>> -> memref<400x32xf32, #tpu.memory_space<hbm>>
        %dma_start3A_682 = arith.constant 0 : i32
        %dma_start3A_683 = arith.constant 0 : i32
        %dma_start3A_684 = tpu.memref_slice %arg16[%cond3A_426, %dma_start3A_682, %dma_start3A_683] : memref<2x400x32xf32, #tpu.memory_space<vmem>> -> memref<1x400x32xf32, #tpu.memory_space<vmem>>
        %dma_start3A_685 = tpu.memref_squeeze %dma_start3A_684 : memref<1x400x32xf32, #tpu.memory_space<vmem>> -> memref<400x32xf32, #tpu.memory_space<vmem>>
        tpu.enqueue_dma source(%dma_start3A_685 : memref<400x32xf32, #tpu.memory_space<vmem>>) target(%dma_start3A_681 : memref<400x32xf32, #tpu.memory_space<hbm>>) target_semaphore(%dma_start3A_679 : memref<!tpu.dma_semaphore, #tpu.memory_space<semaphore_mem>>)
        %dma_start3A_686 = arith.constant 1 : i32
        %dma_start3A_687 = arith.constant 0 : i32
        %dma_start3A_688 = arith.constant 0 : i32
        %dma_start3A_689 = tpu.memref_slice %arg17[%cond3A_427, %dma_start3A_687, %dma_start3A_688] : memref<2x400x32xf32, #tpu.memory_space<vmem>> -> memref<1x400x32xf32, #tpu.memory_space<vmem>>
        %dma_start3A_690 = tpu.memref_squeeze %dma_start3A_689 : memref<1x400x32xf32, #tpu.memory_space<vmem>> -> memref<400x32xf32, #tpu.memory_space<vmem>>
        %dma_start3A_691 = arith.constant 96 : i32
        %dma_start3A_692 = tpu.memref_slice %arg8[%mul3A_655, %dma_start3A_691] : memref<819200x128xf32, #tpu.memory_space<hbm>> -> memref<400x32xf32, #tpu.memory_space<hbm>>
        %dma_start3A_693 = tpu.memref_slice %arg20[%dma_start3A_686] : memref<2x!tpu.dma_semaphore, #tpu.memory_space<semaphore_mem>> -> memref<1x!tpu.dma_semaphore, #tpu.memory_space<semaphore_mem>>
        %dma_start3A_694 = tpu.memref_squeeze %dma_start3A_693 : memref<1x!tpu.dma_semaphore, #tpu.memory_space<semaphore_mem>> -> memref<!tpu.dma_semaphore, #tpu.memory_space<semaphore_mem>>
        %dma_start3A_695 = arith.constant 96 : i32
        %dma_start3A_696 = tpu.memref_slice %arg8[%mul3A_655, %dma_start3A_695] : memref<819200x128xf32, #tpu.memory_space<hbm>> -> memref<400x32xf32, #tpu.memory_space<hbm>>
        %dma_start3A_697 = arith.constant 0 : i32
        %dma_start3A_698 = arith.constant 0 : i32
        %dma_start3A_699 = tpu.memref_slice %arg17[%cond3A_427, %dma_start3A_697, %dma_start3A_698] : memref<2x400x32xf32, #tpu.memory_space<vmem>> -> memref<1x400x32xf32, #tpu.memory_space<vmem>>
        %dma_start3A_700 = tpu.memref_squeeze %dma_start3A_699 : memref<1x400x32xf32, #tpu.memory_space<vmem>> -> memref<400x32xf32, #tpu.memory_space<vmem>>
        tpu.enqueue_dma source(%dma_start3A_700 : memref<400x32xf32, #tpu.memory_space<vmem>>) target(%dma_start3A_696 : memref<400x32xf32, #tpu.memory_space<hbm>>) target_semaphore(%dma_start3A_694 : memref<!tpu.dma_semaphore, #tpu.memory_space<semaphore_mem>>)
      } else {
      }
      %eq3A_430 = arith.constant 0 : i32
      %eq3A_431 = arith.cmpi eq, %mul3A_318, %eq3A_430 : i32
      %convert_element_type3A_432 = arith.extui %eq3A_431 : i1 to i32
      %cond3A_433 = arith.constant 0 : i32
      %cond3A_434 = arith.cmpi ne, %convert_element_type3A_432, %cond3A_433 : i32
      scf.if %cond3A_434 {
        %rem3A_556 = arith.constant 1 : i32
        %rem3A_557 = arith.constant 64 : i32
        %rem3A_558 = arith.remsi %rem3A_556, %rem3A_557 : i32
        %add3A_559 = arith.addi %mul3A_4, %rem3A_558 : i32
        %dma_start3A_560 = arith.constant 1 : i32
        %dma_start3A_561 = arith.constant 1 : i32
        %dma_start3A_562 = arith.constant 0 : i32
        %dma_start3A_563 = tpu.memref_slice %arg12[%dma_start3A_560, %dma_start3A_562] : memref<2x400xi32, #tpu.memory_space<vmem>> -> memref<1x400xi32, #tpu.memory_space<vmem>>
        %dma_start3A_564 = tpu.memref_squeeze %dma_start3A_563 : memref<1x400xi32, #tpu.memory_space<vmem>> -> memref<400xi32, #tpu.memory_space<vmem>>
        %dma_start3A_565 = arith.constant 0 : i32
        %dma_start3A_566 = tpu.memref_slice %arg2[%add3A_559, %dma_start3A_565] : memref<2048x400xi32, #tpu.memory_space<hbm>> -> memref<1x400xi32, #tpu.memory_space<hbm>>
        %dma_start3A_567 = tpu.memref_squeeze %dma_start3A_566 : memref<1x400xi32, #tpu.memory_space<hbm>> -> memref<400xi32, #tpu.memory_space<hbm>>
        %dma_start3A_568 = tpu.memref_slice %arg18[%dma_start3A_561] : memref<2x!tpu.dma_semaphore, #tpu.memory_space<semaphore_mem>> -> memref<1x!tpu.dma_semaphore, #tpu.memory_space<semaphore_mem>>
        %dma_start3A_569 = tpu.memref_squeeze %dma_start3A_568 : memref<1x!tpu.dma_semaphore, #tpu.memory_space<semaphore_mem>> -> memref<!tpu.dma_semaphore, #tpu.memory_space<semaphore_mem>>
        %dma_start3A_570 = arith.constant 0 : i32
        %dma_start3A_571 = tpu.memref_slice %arg12[%dma_start3A_560, %dma_start3A_570] : memref<2x400xi32, #tpu.memory_space<vmem>> -> memref<1x400xi32, #tpu.memory_space<vmem>>
        %dma_start3A_572 = tpu.memref_squeeze %dma_start3A_571 : memref<1x400xi32, #tpu.memory_space<vmem>> -> memref<400xi32, #tpu.memory_space<vmem>>
        %dma_start3A_573 = arith.constant 0 : i32
        %dma_start3A_574 = tpu.memref_slice %arg2[%add3A_559, %dma_start3A_573] : memref<2048x400xi32, #tpu.memory_space<hbm>> -> memref<1x400xi32, #tpu.memory_space<hbm>>
        %dma_start3A_575 = tpu.memref_squeeze %dma_start3A_574 : memref<1x400xi32, #tpu.memory_space<hbm>> -> memref<400xi32, #tpu.memory_space<hbm>>
        tpu.enqueue_dma source(%dma_start3A_575 : memref<400xi32, #tpu.memory_space<hbm>>) target(%dma_start3A_572 : memref<400xi32, #tpu.memory_space<vmem>>) target_semaphore(%dma_start3A_569 : memref<!tpu.dma_semaphore, #tpu.memory_space<semaphore_mem>>)
        %dma_start3A_576 = arith.constant 1 : i32
        %dma_start3A_577 = arith.constant 1 : i32
        %dma_start3A_578 = arith.constant 0 : i32
        %dma_start3A_579 = tpu.memref_slice %arg13[%dma_start3A_576, %dma_start3A_578] : memref<2x400xi32, #tpu.memory_space<vmem>> -> memref<1x400xi32, #tpu.memory_space<vmem>>
        %dma_start3A_580 = tpu.memref_squeeze %dma_start3A_579 : memref<1x400xi32, #tpu.memory_space<vmem>> -> memref<400xi32, #tpu.memory_space<vmem>>
        %dma_start3A_581 = arith.constant 0 : i32
        %dma_start3A_582 = tpu.memref_slice %arg3[%add3A_559, %dma_start3A_581] : memref<2048x400xi32, #tpu.memory_space<hbm>> -> memref<1x400xi32, #tpu.memory_space<hbm>>
        %dma_start3A_583 = tpu.memref_squeeze %dma_start3A_582 : memref<1x400xi32, #tpu.memory_space<hbm>> -> memref<400xi32, #tpu.memory_space<hbm>>
        %dma_start3A_584 = tpu.memref_slice %arg18[%dma_start3A_577] : memref<2x!tpu.dma_semaphore, #tpu.memory_space<semaphore_mem>> -> memref<1x!tpu.dma_semaphore, #tpu.memory_space<semaphore_mem>>
        %dma_start3A_585 = tpu.memref_squeeze %dma_start3A_584 : memref<1x!tpu.dma_semaphore, #tpu.memory_space<semaphore_mem>> -> memref<!tpu.dma_semaphore, #tpu.memory_space<semaphore_mem>>
        %dma_start3A_586 = arith.constant 0 : i32
        %dma_start3A_587 = tpu.memref_slice %arg13[%dma_start3A_576, %dma_start3A_586] : memref<2x400xi32, #tpu.memory_space<vmem>> -> memref<1x400xi32, #tpu.memory_space<vmem>>
        %dma_start3A_588 = tpu.memref_squeeze %dma_start3A_587 : memref<1x400xi32, #tpu.memory_space<vmem>> -> memref<400xi32, #tpu.memory_space<vmem>>
        %dma_start3A_589 = arith.constant 0 : i32
        %dma_start3A_590 = tpu.memref_slice %arg3[%add3A_559, %dma_start3A_589] : memref<2048x400xi32, #tpu.memory_space<hbm>> -> memref<1x400xi32, #tpu.memory_space<hbm>>
        %dma_start3A_591 = tpu.memref_squeeze %dma_start3A_590 : memref<1x400xi32, #tpu.memory_space<hbm>> -> memref<400xi32, #tpu.memory_space<hbm>>
        tpu.enqueue_dma source(%dma_start3A_591 : memref<400xi32, #tpu.memory_space<hbm>>) target(%dma_start3A_588 : memref<400xi32, #tpu.memory_space<vmem>>) target_semaphore(%dma_start3A_585 : memref<!tpu.dma_semaphore, #tpu.memory_space<semaphore_mem>>)
        %dma_start3A_592 = arith.constant 1 : i32
        %dma_start3A_593 = arith.constant 1 : i32
        %dma_start3A_594 = arith.constant 0 : i32
        %dma_start3A_595 = tpu.memref_slice %arg14[%dma_start3A_592, %dma_start3A_594] : memref<2x400xi32, #tpu.memory_space<vmem>> -> memref<1x400xi32, #tpu.memory_space<vmem>>
        %dma_start3A_596 = tpu.memref_squeeze %dma_start3A_595 : memref<1x400xi32, #tpu.memory_space<vmem>> -> memref<400xi32, #tpu.memory_space<vmem>>
        %dma_start3A_597 = arith.constant 0 : i32
        %dma_start3A_598 = tpu.memref_slice %arg4[%add3A_559, %dma_start3A_597] : memref<2048x400xi32, #tpu.memory_space<hbm>> -> memref<1x400xi32, #tpu.memory_space<hbm>>
        %dma_start3A_599 = tpu.memref_squeeze %dma_start3A_598 : memref<1x400xi32, #tpu.memory_space<hbm>> -> memref<400xi32, #tpu.memory_space<hbm>>
        %dma_start3A_600 = tpu.memref_slice %arg18[%dma_start3A_593] : memref<2x!tpu.dma_semaphore, #tpu.memory_space<semaphore_mem>> -> memref<1x!tpu.dma_semaphore, #tpu.memory_space<semaphore_mem>>
        %dma_start3A_601 = tpu.memref_squeeze %dma_start3A_600 : memref<1x!tpu.dma_semaphore, #tpu.memory_space<semaphore_mem>> -> memref<!tpu.dma_semaphore, #tpu.memory_space<semaphore_mem>>
        %dma_start3A_602 = arith.constant 0 : i32
        %dma_start3A_603 = tpu.memref_slice %arg14[%dma_start3A_592, %dma_start3A_602] : memref<2x400xi32, #tpu.memory_space<vmem>> -> memref<1x400xi32, #tpu.memory_space<vmem>>
        %dma_start3A_604 = tpu.memref_squeeze %dma_start3A_603 : memref<1x400xi32, #tpu.memory_space<vmem>> -> memref<400xi32, #tpu.memory_space<vmem>>
        %dma_start3A_605 = arith.constant 0 : i32
        %dma_start3A_606 = tpu.memref_slice %arg4[%add3A_559, %dma_start3A_605] : memref<2048x400xi32, #tpu.memory_space<hbm>> -> memref<1x400xi32, #tpu.memory_space<hbm>>
        %dma_start3A_607 = tpu.memref_squeeze %dma_start3A_606 : memref<1x400xi32, #tpu.memory_space<hbm>> -> memref<400xi32, #tpu.memory_space<hbm>>
        tpu.enqueue_dma source(%dma_start3A_607 : memref<400xi32, #tpu.memory_space<hbm>>) target(%dma_start3A_604 : memref<400xi32, #tpu.memory_space<vmem>>) target_semaphore(%dma_start3A_601 : memref<!tpu.dma_semaphore, #tpu.memory_space<semaphore_mem>>)
      } else {
      }
      %mul3A_435 = arith.constant 2 : i32
      %mul3A_436 = arith.muli %mul3A_435, %scan3A_316 : i32
      %add3A_437 = arith.constant 1 : i32
      %add3A_438 = arith.addi %mul3A_436, %add3A_437 : i32
      %dma_wait3A_439 = arith.constant 0 : i32
      %dma_wait3A_440 = arith.constant 1 : i32
      %dma_wait3A_441 = arith.constant 1 : i32
      %dma_wait3A_442 = arith.constant 0 : i32
      %dma_wait3A_443 = tpu.memref_slice %arg12[%dma_wait3A_440, %dma_wait3A_442] : memref<2x400xi32, #tpu.memory_space<vmem>> -> memref<1x400xi32, #tpu.memory_space<vmem>>
      %dma_wait3A_444 = tpu.memref_squeeze %dma_wait3A_443 : memref<1x400xi32, #tpu.memory_space<vmem>> -> memref<400xi32, #tpu.memory_space<vmem>>
      %dma_wait3A_445 = arith.constant 0 : i32
      %dma_wait3A_446 = tpu.memref_slice %arg2[%dma_wait3A_439, %dma_wait3A_445] : memref<2048x400xi32, #tpu.memory_space<hbm>> -> memref<1x400xi32, #tpu.memory_space<hbm>>
      %dma_wait3A_447 = tpu.memref_squeeze %dma_wait3A_446 : memref<1x400xi32, #tpu.memory_space<hbm>> -> memref<400xi32, #tpu.memory_space<hbm>>
      %dma_wait3A_448 = tpu.memref_slice %arg18[%dma_wait3A_441] : memref<2x!tpu.dma_semaphore, #tpu.memory_space<semaphore_mem>> -> memref<1x!tpu.dma_semaphore, #tpu.memory_space<semaphore_mem>>
      %dma_wait3A_449 = tpu.memref_squeeze %dma_wait3A_448 : memref<1x!tpu.dma_semaphore, #tpu.memory_space<semaphore_mem>> -> memref<!tpu.dma_semaphore, #tpu.memory_space<semaphore_mem>>
      %dma_wait3A_450 = arith.constant 0 : i32
      %dma_wait3A_451 = tpu.memref_slice %arg12[%dma_wait3A_440, %dma_wait3A_450] : memref<2x400xi32, #tpu.memory_space<vmem>> -> memref<1x400xi32, #tpu.memory_space<vmem>>
      %dma_wait3A_452 = tpu.memref_squeeze %dma_wait3A_451 : memref<1x400xi32, #tpu.memory_space<vmem>> -> memref<400xi32, #tpu.memory_space<vmem>>
      %dma_wait3A_453 = arith.constant 0 : i32
      %dma_wait3A_454 = tpu.memref_slice %arg2[%dma_wait3A_439, %dma_wait3A_453] : memref<2048x400xi32, #tpu.memory_space<hbm>> -> memref<1x400xi32, #tpu.memory_space<hbm>>
      %dma_wait3A_455 = tpu.memref_squeeze %dma_wait3A_454 : memref<1x400xi32, #tpu.memory_space<hbm>> -> memref<400xi32, #tpu.memory_space<hbm>>
      tpu.wait_dma2 semaphore(%dma_wait3A_449 : memref<!tpu.dma_semaphore, #tpu.memory_space<semaphore_mem>>) src(%dma_wait3A_455 : memref<400xi32, #tpu.memory_space<hbm>>) dst(%dma_wait3A_452 : memref<400xi32, #tpu.memory_space<vmem>>)
      %dma_wait3A_456 = arith.constant 0 : i32
      %dma_wait3A_457 = arith.constant 1 : i32
      %dma_wait3A_458 = arith.constant 1 : i32
      %dma_wait3A_459 = arith.constant 0 : i32
      %dma_wait3A_460 = tpu.memref_slice %arg13[%dma_wait3A_457, %dma_wait3A_459] : memref<2x400xi32, #tpu.memory_space<vmem>> -> memref<1x400xi32, #tpu.memory_space<vmem>>
      %dma_wait3A_461 = tpu.memref_squeeze %dma_wait3A_460 : memref<1x400xi32, #tpu.memory_space<vmem>> -> memref<400xi32, #tpu.memory_space<vmem>>
      %dma_wait3A_462 = arith.constant 0 : i32
      %dma_wait3A_463 = tpu.memref_slice %arg3[%dma_wait3A_456, %dma_wait3A_462] : memref<2048x400xi32, #tpu.memory_space<hbm>> -> memref<1x400xi32, #tpu.memory_space<hbm>>
      %dma_wait3A_464 = tpu.memref_squeeze %dma_wait3A_463 : memref<1x400xi32, #tpu.memory_space<hbm>> -> memref<400xi32, #tpu.memory_space<hbm>>
      %dma_wait3A_465 = tpu.memref_slice %arg18[%dma_wait3A_458] : memref<2x!tpu.dma_semaphore, #tpu.memory_space<semaphore_mem>> -> memref<1x!tpu.dma_semaphore, #tpu.memory_space<semaphore_mem>>
      %dma_wait3A_466 = tpu.memref_squeeze %dma_wait3A_465 : memref<1x!tpu.dma_semaphore, #tpu.memory_space<semaphore_mem>> -> memref<!tpu.dma_semaphore, #tpu.memory_space<semaphore_mem>>
      %dma_wait3A_467 = arith.constant 0 : i32
      %dma_wait3A_468 = tpu.memref_slice %arg13[%dma_wait3A_457, %dma_wait3A_467] : memref<2x400xi32, #tpu.memory_space<vmem>> -> memref<1x400xi32, #tpu.memory_space<vmem>>
      %dma_wait3A_469 = tpu.memref_squeeze %dma_wait3A_468 : memref<1x400xi32, #tpu.memory_space<vmem>> -> memref<400xi32, #tpu.memory_space<vmem>>
      %dma_wait3A_470 = arith.constant 0 : i32
      %dma_wait3A_471 = tpu.memref_slice %arg3[%dma_wait3A_456, %dma_wait3A_470] : memref<2048x400xi32, #tpu.memory_space<hbm>> -> memref<1x400xi32, #tpu.memory_space<hbm>>
      %dma_wait3A_472 = tpu.memref_squeeze %dma_wait3A_471 : memref<1x400xi32, #tpu.memory_space<hbm>> -> memref<400xi32, #tpu.memory_space<hbm>>
      tpu.wait_dma2 semaphore(%dma_wait3A_466 : memref<!tpu.dma_semaphore, #tpu.memory_space<semaphore_mem>>) src(%dma_wait3A_472 : memref<400xi32, #tpu.memory_space<hbm>>) dst(%dma_wait3A_469 : memref<400xi32, #tpu.memory_space<vmem>>)
      %dma_wait3A_473 = arith.constant 0 : i32
      %dma_wait3A_474 = arith.constant 1 : i32
      %dma_wait3A_475 = arith.constant 1 : i32
      %dma_wait3A_476 = arith.constant 0 : i32
      %dma_wait3A_477 = tpu.memref_slice %arg14[%dma_wait3A_474, %dma_wait3A_476] : memref<2x400xi32, #tpu.memory_space<vmem>> -> memref<1x400xi32, #tpu.memory_space<vmem>>
      %dma_wait3A_478 = tpu.memref_squeeze %dma_wait3A_477 : memref<1x400xi32, #tpu.memory_space<vmem>> -> memref<400xi32, #tpu.memory_space<vmem>>
      %dma_wait3A_479 = arith.constant 0 : i32
      %dma_wait3A_480 = tpu.memref_slice %arg4[%dma_wait3A_473, %dma_wait3A_479] : memref<2048x400xi32, #tpu.memory_space<hbm>> -> memref<1x400xi32, #tpu.memory_space<hbm>>
      %dma_wait3A_481 = tpu.memref_squeeze %dma_wait3A_480 : memref<1x400xi32, #tpu.memory_space<hbm>> -> memref<400xi32, #tpu.memory_space<hbm>>
      %dma_wait3A_482 = tpu.memref_slice %arg18[%dma_wait3A_475] : memref<2x!tpu.dma_semaphore, #tpu.memory_space<semaphore_mem>> -> memref<1x!tpu.dma_semaphore, #tpu.memory_space<semaphore_mem>>
      %dma_wait3A_483 = tpu.memref_squeeze %dma_wait3A_482 : memref<1x!tpu.dma_semaphore, #tpu.memory_space<semaphore_mem>> -> memref<!tpu.dma_semaphore, #tpu.memory_space<semaphore_mem>>
      %dma_wait3A_484 = arith.constant 0 : i32
      %dma_wait3A_485 = tpu.memref_slice %arg14[%dma_wait3A_474, %dma_wait3A_484] : memref<2x400xi32, #tpu.memory_space<vmem>> -> memref<1x400xi32, #tpu.memory_space<vmem>>
      %dma_wait3A_486 = tpu.memref_squeeze %dma_wait3A_485 : memref<1x400xi32, #tpu.memory_space<vmem>> -> memref<400xi32, #tpu.memory_space<vmem>>
      %dma_wait3A_487 = arith.constant 0 : i32
      %dma_wait3A_488 = tpu.memref_slice %arg4[%dma_wait3A_473, %dma_wait3A_487] : memref<2048x400xi32, #tpu.memory_space<hbm>> -> memref<1x400xi32, #tpu.memory_space<hbm>>
      %dma_wait3A_489 = tpu.memref_squeeze %dma_wait3A_488 : memref<1x400xi32, #tpu.memory_space<hbm>> -> memref<400xi32, #tpu.memory_space<hbm>>
      tpu.wait_dma2 semaphore(%dma_wait3A_483 : memref<!tpu.dma_semaphore, #tpu.memory_space<semaphore_mem>>) src(%dma_wait3A_489 : memref<400xi32, #tpu.memory_space<hbm>>) dst(%dma_wait3A_486 : memref<400xi32, #tpu.memory_space<vmem>>)
      %ge3A_490 = arith.constant 2 : i32
      %ge3A_491 = arith.cmpi sge, %add3A_438, %ge3A_490 : i32
      %convert_element_type3A_492 = arith.extui %ge3A_491 : i1 to i32
      %cond3A_493 = arith.constant 1 : i32
      %cond3A_494 = arith.constant 1 : i32
      %cond3A_495 = arith.constant 1 : i32
      %cond3A_496 = arith.constant 0 : i32
      %cond3A_497 = arith.cmpi ne, %convert_element_type3A_492, %cond3A_496 : i32
      scf.if %cond3A_497 {
        %dma_wait3A_556 = arith.constant 1 : i32
        %dma_wait3A_557 = arith.constant 0 : i32
        %dma_wait3A_558 = arith.constant 0 : i32
        %dma_wait3A_559 = tpu.memref_slice %arg15[%cond3A_493, %dma_wait3A_557, %dma_wait3A_558] : memref<2x400x64xf32, #tpu.memory_space<vmem>> -> memref<1x400x64xf32, #tpu.memory_space<vmem>>
        %dma_wait3A_560 = tpu.memref_squeeze %dma_wait3A_559 : memref<1x400x64xf32, #tpu.memory_space<vmem>> -> memref<400x64xf32, #tpu.memory_space<vmem>>
        %dma_wait3A_561 = arith.constant 0 : i32
        %dma_wait3A_562 = arith.constant 0 : i32
        %dma_wait3A_563 = tpu.memref_slice %arg8[%dma_wait3A_561, %dma_wait3A_562] : memref<819200x128xf32, #tpu.memory_space<hbm>> -> memref<400x64xf32, #tpu.memory_space<hbm>>
        %dma_wait3A_564 = tpu.memref_slice %arg20[%dma_wait3A_556] : memref<2x!tpu.dma_semaphore, #tpu.memory_space<semaphore_mem>> -> memref<1x!tpu.dma_semaphore, #tpu.memory_space<semaphore_mem>>
        %dma_wait3A_565 = tpu.memref_squeeze %dma_wait3A_564 : memref<1x!tpu.dma_semaphore, #tpu.memory_space<semaphore_mem>> -> memref<!tpu.dma_semaphore, #tpu.memory_space<semaphore_mem>>
        %dma_wait3A_566 = arith.constant 0 : i32
        %dma_wait3A_567 = arith.constant 0 : i32
        %dma_wait3A_568 = tpu.memref_slice %arg8[%dma_wait3A_566, %dma_wait3A_567] : memref<819200x128xf32, #tpu.memory_space<hbm>> -> memref<400x64xf32, #tpu.memory_space<hbm>>
        %dma_wait3A_569 = arith.constant 0 : i32
        %dma_wait3A_570 = arith.constant 0 : i32
        %dma_wait3A_571 = tpu.memref_slice %arg15[%cond3A_493, %dma_wait3A_569, %dma_wait3A_570] : memref<2x400x64xf32, #tpu.memory_space<vmem>> -> memref<1x400x64xf32, #tpu.memory_space<vmem>>
        %dma_wait3A_572 = tpu.memref_squeeze %dma_wait3A_571 : memref<1x400x64xf32, #tpu.memory_space<vmem>> -> memref<400x64xf32, #tpu.memory_space<vmem>>
        tpu.wait_dma2 semaphore(%dma_wait3A_565 : memref<!tpu.dma_semaphore, #tpu.memory_space<semaphore_mem>>) src(%dma_wait3A_572 : memref<400x64xf32, #tpu.memory_space<vmem>>) dst(%dma_wait3A_568 : memref<400x64xf32, #tpu.memory_space<hbm>>)
        %dma_wait3A_573 = arith.constant 1 : i32
        %dma_wait3A_574 = arith.constant 0 : i32
        %dma_wait3A_575 = arith.constant 0 : i32
        %dma_wait3A_576 = tpu.memref_slice %arg16[%cond3A_494, %dma_wait3A_574, %dma_wait3A_575] : memref<2x400x32xf32, #tpu.memory_space<vmem>> -> memref<1x400x32xf32, #tpu.memory_space<vmem>>
        %dma_wait3A_577 = tpu.memref_squeeze %dma_wait3A_576 : memref<1x400x32xf32, #tpu.memory_space<vmem>> -> memref<400x32xf32, #tpu.memory_space<vmem>>
        %dma_wait3A_578 = arith.constant 0 : i32
        %dma_wait3A_579 = arith.constant 64 : i32
        %dma_wait3A_580 = tpu.memref_slice %arg8[%dma_wait3A_578, %dma_wait3A_579] : memref<819200x128xf32, #tpu.memory_space<hbm>> -> memref<400x32xf32, #tpu.memory_space<hbm>>
        %dma_wait3A_581 = tpu.memref_slice %arg20[%dma_wait3A_573] : memref<2x!tpu.dma_semaphore, #tpu.memory_space<semaphore_mem>> -> memref<1x!tpu.dma_semaphore, #tpu.memory_space<semaphore_mem>>
        %dma_wait3A_582 = tpu.memref_squeeze %dma_wait3A_581 : memref<1x!tpu.dma_semaphore, #tpu.memory_space<semaphore_mem>> -> memref<!tpu.dma_semaphore, #tpu.memory_space<semaphore_mem>>
        %dma_wait3A_583 = arith.constant 0 : i32
        %dma_wait3A_584 = arith.constant 64 : i32
        %dma_wait3A_585 = tpu.memref_slice %arg8[%dma_wait3A_583, %dma_wait3A_584] : memref<819200x128xf32, #tpu.memory_space<hbm>> -> memref<400x32xf32, #tpu.memory_space<hbm>>
        %dma_wait3A_586 = arith.constant 0 : i32
        %dma_wait3A_587 = arith.constant 0 : i32
        %dma_wait3A_588 = tpu.memref_slice %arg16[%cond3A_494, %dma_wait3A_586, %dma_wait3A_587] : memref<2x400x32xf32, #tpu.memory_space<vmem>> -> memref<1x400x32xf32, #tpu.memory_space<vmem>>
        %dma_wait3A_589 = tpu.memref_squeeze %dma_wait3A_588 : memref<1x400x32xf32, #tpu.memory_space<vmem>> -> memref<400x32xf32, #tpu.memory_space<vmem>>
        tpu.wait_dma2 semaphore(%dma_wait3A_582 : memref<!tpu.dma_semaphore, #tpu.memory_space<semaphore_mem>>) src(%dma_wait3A_589 : memref<400x32xf32, #tpu.memory_space<vmem>>) dst(%dma_wait3A_585 : memref<400x32xf32, #tpu.memory_space<hbm>>)
        %dma_wait3A_590 = arith.constant 1 : i32
        %dma_wait3A_591 = arith.constant 0 : i32
        %dma_wait3A_592 = arith.constant 0 : i32
        %dma_wait3A_593 = tpu.memref_slice %arg17[%cond3A_495, %dma_wait3A_591, %dma_wait3A_592] : memref<2x400x32xf32, #tpu.memory_space<vmem>> -> memref<1x400x32xf32, #tpu.memory_space<vmem>>
        %dma_wait3A_594 = tpu.memref_squeeze %dma_wait3A_593 : memref<1x400x32xf32, #tpu.memory_space<vmem>> -> memref<400x32xf32, #tpu.memory_space<vmem>>
        %dma_wait3A_595 = arith.constant 0 : i32
        %dma_wait3A_596 = arith.constant 96 : i32
        %dma_wait3A_597 = tpu.memref_slice %arg8[%dma_wait3A_595, %dma_wait3A_596] : memref<819200x128xf32, #tpu.memory_space<hbm>> -> memref<400x32xf32, #tpu.memory_space<hbm>>
        %dma_wait3A_598 = tpu.memref_slice %arg20[%dma_wait3A_590] : memref<2x!tpu.dma_semaphore, #tpu.memory_space<semaphore_mem>> -> memref<1x!tpu.dma_semaphore, #tpu.memory_space<semaphore_mem>>
        %dma_wait3A_599 = tpu.memref_squeeze %dma_wait3A_598 : memref<1x!tpu.dma_semaphore, #tpu.memory_space<semaphore_mem>> -> memref<!tpu.dma_semaphore, #tpu.memory_space<semaphore_mem>>
        %dma_wait3A_600 = arith.constant 0 : i32
        %dma_wait3A_601 = arith.constant 96 : i32
        %dma_wait3A_602 = tpu.memref_slice %arg8[%dma_wait3A_600, %dma_wait3A_601] : memref<819200x128xf32, #tpu.memory_space<hbm>> -> memref<400x32xf32, #tpu.memory_space<hbm>>
        %dma_wait3A_603 = arith.constant 0 : i32
        %dma_wait3A_604 = arith.constant 0 : i32
        %dma_wait3A_605 = tpu.memref_slice %arg17[%cond3A_495, %dma_wait3A_603, %dma_wait3A_604] : memref<2x400x32xf32, #tpu.memory_space<vmem>> -> memref<1x400x32xf32, #tpu.memory_space<vmem>>
        %dma_wait3A_606 = tpu.memref_squeeze %dma_wait3A_605 : memref<1x400x32xf32, #tpu.memory_space<vmem>> -> memref<400x32xf32, #tpu.memory_space<vmem>>
        tpu.wait_dma2 semaphore(%dma_wait3A_599 : memref<!tpu.dma_semaphore, #tpu.memory_space<semaphore_mem>>) src(%dma_wait3A_606 : memref<400x32xf32, #tpu.memory_space<vmem>>) dst(%dma_wait3A_602 : memref<400x32xf32, #tpu.memory_space<hbm>>)
      } else {
      }
      %dma_start3A_498 = arith.constant 1 : i32
      %dma_start3A_499 = arith.constant 1 : i32
      %dma_start3A_500 = arith.constant 1 : i32
      %dma_start3A_501 = arith.constant 0 : i32
      %dma_start3A_502 = arith.constant 0 : i32
      %dma_start3A_503 = tpu.memref_slice %arg15[%dma_start3A_499, %dma_start3A_501, %dma_start3A_502] : memref<2x400x64xf32, #tpu.memory_space<vmem>> -> memref<1x400x64xf32, #tpu.memory_space<vmem>>
      %dma_start3A_504 = tpu.memref_squeeze %dma_start3A_503 : memref<1x400x64xf32, #tpu.memory_space<vmem>> -> memref<400x64xf32, #tpu.memory_space<vmem>>
      %dma_start3A_505 = arith.constant 0 : i32
      %dma_start3A_506 = tpu.memref_slice %arg12[%dma_start3A_498, %dma_start3A_505] : memref<2x400xi32, #tpu.memory_space<vmem>> -> memref<1x400xi32, #tpu.memory_space<vmem>>
      %dma_start3A_507 = tpu.memref_squeeze %dma_start3A_506 : memref<1x400xi32, #tpu.memory_space<vmem>> -> memref<400xi32, #tpu.memory_space<vmem>>
      %dma_start3A_508 = arith.constant 0 : i32
      %dma_start3A_509 = arith.constant 0 : i32
      %dma_start3A_510 = tpu.memref_slice %arg9[%dma_start3A_508, %dma_start3A_509] : memref<2048x64xf32, #tpu.memory_space<vmem_shared>> -> memref<2048x64xf32, #tpu.memory_space<vmem_shared>>
      %dma_start3A_511 = tpu.memref_slice %arg19[%dma_start3A_500] : memref<2x!tpu.dma_semaphore, #tpu.memory_space<semaphore_mem>> -> memref<1x!tpu.dma_semaphore, #tpu.memory_space<semaphore_mem>>
      %dma_start3A_512 = tpu.memref_squeeze %dma_start3A_511 : memref<1x!tpu.dma_semaphore, #tpu.memory_space<semaphore_mem>> -> memref<!tpu.dma_semaphore, #tpu.memory_space<semaphore_mem>>
      tpu.enqueue_indirect_dma source(%dma_start3A_510 : memref<2048x64xf32, #tpu.memory_space<vmem_shared>>) target(%dma_start3A_504 : memref<400x64xf32, #tpu.memory_space<vmem>>) offsets(%dma_start3A_507 : memref<400xi32, #tpu.memory_space<vmem>>) semaphore(%dma_start3A_512 : memref<!tpu.dma_semaphore, #tpu.memory_space<semaphore_mem>>)
      %dma_start3A_513 = arith.constant 1 : i32
      %dma_start3A_514 = arith.constant 1 : i32
      %dma_start3A_515 = arith.constant 1 : i32
      %dma_start3A_516 = arith.constant 0 : i32
      %dma_start3A_517 = arith.constant 0 : i32
      %dma_start3A_518 = tpu.memref_slice %arg16[%dma_start3A_514, %dma_start3A_516, %dma_start3A_517] : memref<2x400x32xf32, #tpu.memory_space<vmem>> -> memref<1x400x32xf32, #tpu.memory_space<vmem>>
      %dma_start3A_519 = tpu.memref_squeeze %dma_start3A_518 : memref<1x400x32xf32, #tpu.memory_space<vmem>> -> memref<400x32xf32, #tpu.memory_space<vmem>>
      %dma_start3A_520 = arith.constant 0 : i32
      %dma_start3A_521 = tpu.memref_slice %arg13[%dma_start3A_513, %dma_start3A_520] : memref<2x400xi32, #tpu.memory_space<vmem>> -> memref<1x400xi32, #tpu.memory_space<vmem>>
      %dma_start3A_522 = tpu.memref_squeeze %dma_start3A_521 : memref<1x400xi32, #tpu.memory_space<vmem>> -> memref<400xi32, #tpu.memory_space<vmem>>
      %dma_start3A_523 = arith.constant 0 : i32
      %dma_start3A_524 = arith.constant 0 : i32
      %dma_start3A_525 = tpu.memref_slice %arg10[%dma_start3A_523, %dma_start3A_524] : memref<2048x32xf32, #tpu.memory_space<vmem_shared>> -> memref<2048x32xf32, #tpu.memory_space<vmem_shared>>
      %dma_start3A_526 = tpu.memref_slice %arg19[%dma_start3A_515] : memref<2x!tpu.dma_semaphore, #tpu.memory_space<semaphore_mem>> -> memref<1x!tpu.dma_semaphore, #tpu.memory_space<semaphore_mem>>
      %dma_start3A_527 = tpu.memref_squeeze %dma_start3A_526 : memref<1x!tpu.dma_semaphore, #tpu.memory_space<semaphore_mem>> -> memref<!tpu.dma_semaphore, #tpu.memory_space<semaphore_mem>>
      tpu.enqueue_indirect_dma source(%dma_start3A_525 : memref<2048x32xf32, #tpu.memory_space<vmem_shared>>) target(%dma_start3A_519 : memref<400x32xf32, #tpu.memory_space<vmem>>) offsets(%dma_start3A_522 : memref<400xi32, #tpu.memory_space<vmem>>) semaphore(%dma_start3A_527 : memref<!tpu.dma_semaphore, #tpu.memory_space<semaphore_mem>>)
      %dma_start3A_528 = arith.constant 1 : i32
      %dma_start3A_529 = arith.constant 1 : i32
      %dma_start3A_530 = arith.constant 1 : i32
      %dma_start3A_531 = arith.constant 0 : i32
      %dma_start3A_532 = arith.constant 0 : i32
      %dma_start3A_533 = tpu.memref_slice %arg17[%dma_start3A_529, %dma_start3A_531, %dma_start3A_532] : memref<2x400x32xf32, #tpu.memory_space<vmem>> -> memref<1x400x32xf32, #tpu.memory_space<vmem>>
      %dma_start3A_534 = tpu.memref_squeeze %dma_start3A_533 : memref<1x400x32xf32, #tpu.memory_space<vmem>> -> memref<400x32xf32, #tpu.memory_space<vmem>>
      %dma_start3A_535 = arith.constant 0 : i32
      %dma_start3A_536 = tpu.memref_slice %arg14[%dma_start3A_528, %dma_start3A_535] : memref<2x400xi32, #tpu.memory_space<vmem>> -> memref<1x400xi32, #tpu.memory_space<vmem>>
      %dma_start3A_537 = tpu.memref_squeeze %dma_start3A_536 : memref<1x400xi32, #tpu.memory_space<vmem>> -> memref<400xi32, #tpu.memory_space<vmem>>
      %dma_start3A_538 = arith.constant 0 : i32
      %dma_start3A_539 = arith.constant 0 : i32
      %dma_start3A_540 = tpu.memref_slice %arg11[%dma_start3A_538, %dma_start3A_539] : memref<512x32xf32, #tpu.memory_space<vmem_shared>> -> memref<512x32xf32, #tpu.memory_space<vmem_shared>>
      %dma_start3A_541 = tpu.memref_slice %arg19[%dma_start3A_530] : memref<2x!tpu.dma_semaphore, #tpu.memory_space<semaphore_mem>> -> memref<1x!tpu.dma_semaphore, #tpu.memory_space<semaphore_mem>>
      %dma_start3A_542 = tpu.memref_squeeze %dma_start3A_541 : memref<1x!tpu.dma_semaphore, #tpu.memory_space<semaphore_mem>> -> memref<!tpu.dma_semaphore, #tpu.memory_space<semaphore_mem>>
      tpu.enqueue_indirect_dma source(%dma_start3A_540 : memref<512x32xf32, #tpu.memory_space<vmem_shared>>) target(%dma_start3A_534 : memref<400x32xf32, #tpu.memory_space<vmem>>) offsets(%dma_start3A_537 : memref<400xi32, #tpu.memory_space<vmem>>) semaphore(%dma_start3A_542 : memref<!tpu.dma_semaphore, #tpu.memory_space<semaphore_mem>>)
      %ge3A_543 = arith.constant 1 : i32
      %ge3A_544 = arith.cmpi sge, %add3A_438, %ge3A_543 : i32
      %convert_element_type3A_545 = arith.extui %ge3A_544 : i1 to i32
      %cond3A_546 = arith.constant 0 : i32
      %cond3A_547 = arith.constant 0 : i32
      %cond3A_548 = arith.constant 0 : i32
      %cond3A_549 = arith.constant 0 : i32
      %cond3A_550 = arith.cmpi ne, %convert_element_type3A_545, %cond3A_549 : i32
      scf.if %cond3A_550 {
        %dma_wait3A_556 = arith.constant 0 : i32
        %dma_wait3A_557 = arith.constant 0 : i32
        %dma_wait3A_558 = arith.constant 0 : i32
        %dma_wait3A_559 = arith.constant 0 : i32
        %dma_wait3A_560 = tpu.memref_slice %arg15[%cond3A_546, %dma_wait3A_558, %dma_wait3A_559] : memref<2x400x64xf32, #tpu.memory_space<vmem>> -> memref<1x400x64xf32, #tpu.memory_space<vmem>>
        %dma_wait3A_561 = tpu.memref_squeeze %dma_wait3A_560 : memref<1x400x64xf32, #tpu.memory_space<vmem>> -> memref<400x64xf32, #tpu.memory_space<vmem>>
        %dma_wait3A_562 = arith.constant 0 : i32
        %dma_wait3A_563 = tpu.memref_slice %arg12[%dma_wait3A_556, %dma_wait3A_562] : memref<2x400xi32, #tpu.memory_space<vmem>> -> memref<1x400xi32, #tpu.memory_space<vmem>>
        %dma_wait3A_564 = tpu.memref_squeeze %dma_wait3A_563 : memref<1x400xi32, #tpu.memory_space<vmem>> -> memref<400xi32, #tpu.memory_space<vmem>>
        %dma_wait3A_565 = arith.constant 0 : i32
        %dma_wait3A_566 = arith.constant 0 : i32
        %dma_wait3A_567 = tpu.memref_slice %arg9[%dma_wait3A_565, %dma_wait3A_566] : memref<2048x64xf32, #tpu.memory_space<vmem_shared>> -> memref<2048x64xf32, #tpu.memory_space<vmem_shared>>
        %dma_wait3A_568 = tpu.memref_slice %arg19[%dma_wait3A_557] : memref<2x!tpu.dma_semaphore, #tpu.memory_space<semaphore_mem>> -> memref<1x!tpu.dma_semaphore, #tpu.memory_space<semaphore_mem>>
        %dma_wait3A_569 = tpu.memref_squeeze %dma_wait3A_568 : memref<1x!tpu.dma_semaphore, #tpu.memory_space<semaphore_mem>> -> memref<!tpu.dma_semaphore, #tpu.memory_space<semaphore_mem>>
        tpu.wait_indirect_dma semaphore(%dma_wait3A_569 : memref<!tpu.dma_semaphore, #tpu.memory_space<semaphore_mem>>) src(%dma_wait3A_567 : memref<2048x64xf32, #tpu.memory_space<vmem_shared>>) dst(%dma_wait3A_561 : memref<400x64xf32, #tpu.memory_space<vmem>>)
        %dma_wait3A_570 = arith.constant 0 : i32
        %dma_wait3A_571 = arith.constant 0 : i32
        %dma_wait3A_572 = arith.constant 0 : i32
        %dma_wait3A_573 = arith.constant 0 : i32
        %dma_wait3A_574 = tpu.memref_slice %arg16[%cond3A_547, %dma_wait3A_572, %dma_wait3A_573] : memref<2x400x32xf32, #tpu.memory_space<vmem>> -> memref<1x400x32xf32, #tpu.memory_space<vmem>>
        %dma_wait3A_575 = tpu.memref_squeeze %dma_wait3A_574 : memref<1x400x32xf32, #tpu.memory_space<vmem>> -> memref<400x32xf32, #tpu.memory_space<vmem>>
        %dma_wait3A_576 = arith.constant 0 : i32
        %dma_wait3A_577 = tpu.memref_slice %arg13[%dma_wait3A_570, %dma_wait3A_576] : memref<2x400xi32, #tpu.memory_space<vmem>> -> memref<1x400xi32, #tpu.memory_space<vmem>>
        %dma_wait3A_578 = tpu.memref_squeeze %dma_wait3A_577 : memref<1x400xi32, #tpu.memory_space<vmem>> -> memref<400xi32, #tpu.memory_space<vmem>>
        %dma_wait3A_579 = arith.constant 0 : i32
        %dma_wait3A_580 = arith.constant 0 : i32
        %dma_wait3A_581 = tpu.memref_slice %arg10[%dma_wait3A_579, %dma_wait3A_580] : memref<2048x32xf32, #tpu.memory_space<vmem_shared>> -> memref<2048x32xf32, #tpu.memory_space<vmem_shared>>
        %dma_wait3A_582 = tpu.memref_slice %arg19[%dma_wait3A_571] : memref<2x!tpu.dma_semaphore, #tpu.memory_space<semaphore_mem>> -> memref<1x!tpu.dma_semaphore, #tpu.memory_space<semaphore_mem>>
        %dma_wait3A_583 = tpu.memref_squeeze %dma_wait3A_582 : memref<1x!tpu.dma_semaphore, #tpu.memory_space<semaphore_mem>> -> memref<!tpu.dma_semaphore, #tpu.memory_space<semaphore_mem>>
        tpu.wait_indirect_dma semaphore(%dma_wait3A_583 : memref<!tpu.dma_semaphore, #tpu.memory_space<semaphore_mem>>) src(%dma_wait3A_581 : memref<2048x32xf32, #tpu.memory_space<vmem_shared>>) dst(%dma_wait3A_575 : memref<400x32xf32, #tpu.memory_space<vmem>>)
        %dma_wait3A_584 = arith.constant 0 : i32
        %dma_wait3A_585 = arith.constant 0 : i32
        %dma_wait3A_586 = arith.constant 0 : i32
        %dma_wait3A_587 = arith.constant 0 : i32
        %dma_wait3A_588 = tpu.memref_slice %arg17[%cond3A_548, %dma_wait3A_586, %dma_wait3A_587] : memref<2x400x32xf32, #tpu.memory_space<vmem>> -> memref<1x400x32xf32, #tpu.memory_space<vmem>>
        %dma_wait3A_589 = tpu.memref_squeeze %dma_wait3A_588 : memref<1x400x32xf32, #tpu.memory_space<vmem>> -> memref<400x32xf32, #tpu.memory_space<vmem>>
        %dma_wait3A_590 = arith.constant 0 : i32
        %dma_wait3A_591 = tpu.memref_slice %arg14[%dma_wait3A_584, %dma_wait3A_590] : memref<2x400xi32, #tpu.memory_space<vmem>> -> memref<1x400xi32, #tpu.memory_space<vmem>>
        %dma_wait3A_592 = tpu.memref_squeeze %dma_wait3A_591 : memref<1x400xi32, #tpu.memory_space<vmem>> -> memref<400xi32, #tpu.memory_space<vmem>>
        %dma_wait3A_593 = arith.constant 0 : i32
        %dma_wait3A_594 = arith.constant 0 : i32
        %dma_wait3A_595 = tpu.memref_slice %arg11[%dma_wait3A_593, %dma_wait3A_594] : memref<512x32xf32, #tpu.memory_space<vmem_shared>> -> memref<512x32xf32, #tpu.memory_space<vmem_shared>>
        %dma_wait3A_596 = tpu.memref_slice %arg19[%dma_wait3A_585] : memref<2x!tpu.dma_semaphore, #tpu.memory_space<semaphore_mem>> -> memref<1x!tpu.dma_semaphore, #tpu.memory_space<semaphore_mem>>
        %dma_wait3A_597 = tpu.memref_squeeze %dma_wait3A_596 : memref<1x!tpu.dma_semaphore, #tpu.memory_space<semaphore_mem>> -> memref<!tpu.dma_semaphore, #tpu.memory_space<semaphore_mem>>
        tpu.wait_indirect_dma semaphore(%dma_wait3A_597 : memref<!tpu.dma_semaphore, #tpu.memory_space<semaphore_mem>>) src(%dma_wait3A_595 : memref<512x32xf32, #tpu.memory_space<vmem_shared>>) dst(%dma_wait3A_589 : memref<400x32xf32, #tpu.memory_space<vmem>>)
        %add3A_598 = arith.constant 1 : i32
        %add3A_599 = arith.addi %add3A_438, %add3A_598 : i32
        %rem3A_600 = arith.constant 64 : i32
        %rem3A_601 = arith.remsi %add3A_599, %rem3A_600 : i32
        %add3A_602 = arith.addi %mul3A_4, %rem3A_601 : i32
        %dma_start3A_603 = arith.constant 0 : i32
        %dma_start3A_604 = arith.constant 0 : i32
        %dma_start3A_605 = arith.constant 0 : i32
        %dma_start3A_606 = tpu.memref_slice %arg12[%dma_start3A_603, %dma_start3A_605] : memref<2x400xi32, #tpu.memory_space<vmem>> -> memref<1x400xi32, #tpu.memory_space<vmem>>
        %dma_start3A_607 = tpu.memref_squeeze %dma_start3A_606 : memref<1x400xi32, #tpu.memory_space<vmem>> -> memref<400xi32, #tpu.memory_space<vmem>>
        %dma_start3A_608 = arith.constant 0 : i32
        %dma_start3A_609 = tpu.memref_slice %arg2[%add3A_602, %dma_start3A_608] : memref<2048x400xi32, #tpu.memory_space<hbm>> -> memref<1x400xi32, #tpu.memory_space<hbm>>
        %dma_start3A_610 = tpu.memref_squeeze %dma_start3A_609 : memref<1x400xi32, #tpu.memory_space<hbm>> -> memref<400xi32, #tpu.memory_space<hbm>>
        %dma_start3A_611 = tpu.memref_slice %arg18[%dma_start3A_604] : memref<2x!tpu.dma_semaphore, #tpu.memory_space<semaphore_mem>> -> memref<1x!tpu.dma_semaphore, #tpu.memory_space<semaphore_mem>>
        %dma_start3A_612 = tpu.memref_squeeze %dma_start3A_611 : memref<1x!tpu.dma_semaphore, #tpu.memory_space<semaphore_mem>> -> memref<!tpu.dma_semaphore, #tpu.memory_space<semaphore_mem>>
        %dma_start3A_613 = arith.constant 0 : i32
        %dma_start3A_614 = tpu.memref_slice %arg12[%dma_start3A_603, %dma_start3A_613] : memref<2x400xi32, #tpu.memory_space<vmem>> -> memref<1x400xi32, #tpu.memory_space<vmem>>
        %dma_start3A_615 = tpu.memref_squeeze %dma_start3A_614 : memref<1x400xi32, #tpu.memory_space<vmem>> -> memref<400xi32, #tpu.memory_space<vmem>>
        %dma_start3A_616 = arith.constant 0 : i32
        %dma_start3A_617 = tpu.memref_slice %arg2[%add3A_602, %dma_start3A_616] : memref<2048x400xi32, #tpu.memory_space<hbm>> -> memref<1x400xi32, #tpu.memory_space<hbm>>
        %dma_start3A_618 = tpu.memref_squeeze %dma_start3A_617 : memref<1x400xi32, #tpu.memory_space<hbm>> -> memref<400xi32, #tpu.memory_space<hbm>>
        tpu.enqueue_dma source(%dma_start3A_618 : memref<400xi32, #tpu.memory_space<hbm>>) target(%dma_start3A_615 : memref<400xi32, #tpu.memory_space<vmem>>) target_semaphore(%dma_start3A_612 : memref<!tpu.dma_semaphore, #tpu.memory_space<semaphore_mem>>)
        %dma_start3A_619 = arith.constant 0 : i32
        %dma_start3A_620 = arith.constant 0 : i32
        %dma_start3A_621 = arith.constant 0 : i32
        %dma_start3A_622 = tpu.memref_slice %arg13[%dma_start3A_619, %dma_start3A_621] : memref<2x400xi32, #tpu.memory_space<vmem>> -> memref<1x400xi32, #tpu.memory_space<vmem>>
        %dma_start3A_623 = tpu.memref_squeeze %dma_start3A_622 : memref<1x400xi32, #tpu.memory_space<vmem>> -> memref<400xi32, #tpu.memory_space<vmem>>
        %dma_start3A_624 = arith.constant 0 : i32
        %dma_start3A_625 = tpu.memref_slice %arg3[%add3A_602, %dma_start3A_624] : memref<2048x400xi32, #tpu.memory_space<hbm>> -> memref<1x400xi32, #tpu.memory_space<hbm>>
        %dma_start3A_626 = tpu.memref_squeeze %dma_start3A_625 : memref<1x400xi32, #tpu.memory_space<hbm>> -> memref<400xi32, #tpu.memory_space<hbm>>
        %dma_start3A_627 = tpu.memref_slice %arg18[%dma_start3A_620] : memref<2x!tpu.dma_semaphore, #tpu.memory_space<semaphore_mem>> -> memref<1x!tpu.dma_semaphore, #tpu.memory_space<semaphore_mem>>
        %dma_start3A_628 = tpu.memref_squeeze %dma_start3A_627 : memref<1x!tpu.dma_semaphore, #tpu.memory_space<semaphore_mem>> -> memref<!tpu.dma_semaphore, #tpu.memory_space<semaphore_mem>>
        %dma_start3A_629 = arith.constant 0 : i32
        %dma_start3A_630 = tpu.memref_slice %arg13[%dma_start3A_619, %dma_start3A_629] : memref<2x400xi32, #tpu.memory_space<vmem>> -> memref<1x400xi32, #tpu.memory_space<vmem>>
        %dma_start3A_631 = tpu.memref_squeeze %dma_start3A_630 : memref<1x400xi32, #tpu.memory_space<vmem>> -> memref<400xi32, #tpu.memory_space<vmem>>
        %dma_start3A_632 = arith.constant 0 : i32
        %dma_start3A_633 = tpu.memref_slice %arg3[%add3A_602, %dma_start3A_632] : memref<2048x400xi32, #tpu.memory_space<hbm>> -> memref<1x400xi32, #tpu.memory_space<hbm>>
        %dma_start3A_634 = tpu.memref_squeeze %dma_start3A_633 : memref<1x400xi32, #tpu.memory_space<hbm>> -> memref<400xi32, #tpu.memory_space<hbm>>
        tpu.enqueue_dma source(%dma_start3A_634 : memref<400xi32, #tpu.memory_space<hbm>>) target(%dma_start3A_631 : memref<400xi32, #tpu.memory_space<vmem>>) target_semaphore(%dma_start3A_628 : memref<!tpu.dma_semaphore, #tpu.memory_space<semaphore_mem>>)
        %dma_start3A_635 = arith.constant 0 : i32
        %dma_start3A_636 = arith.constant 0 : i32
        %dma_start3A_637 = arith.constant 0 : i32
        %dma_start3A_638 = tpu.memref_slice %arg14[%dma_start3A_635, %dma_start3A_637] : memref<2x400xi32, #tpu.memory_space<vmem>> -> memref<1x400xi32, #tpu.memory_space<vmem>>
        %dma_start3A_639 = tpu.memref_squeeze %dma_start3A_638 : memref<1x400xi32, #tpu.memory_space<vmem>> -> memref<400xi32, #tpu.memory_space<vmem>>
        %dma_start3A_640 = arith.constant 0 : i32
        %dma_start3A_641 = tpu.memref_slice %arg4[%add3A_602, %dma_start3A_640] : memref<2048x400xi32, #tpu.memory_space<hbm>> -> memref<1x400xi32, #tpu.memory_space<hbm>>
        %dma_start3A_642 = tpu.memref_squeeze %dma_start3A_641 : memref<1x400xi32, #tpu.memory_space<hbm>> -> memref<400xi32, #tpu.memory_space<hbm>>
        %dma_start3A_643 = tpu.memref_slice %arg18[%dma_start3A_636] : memref<2x!tpu.dma_semaphore, #tpu.memory_space<semaphore_mem>> -> memref<1x!tpu.dma_semaphore, #tpu.memory_space<semaphore_mem>>
        %dma_start3A_644 = tpu.memref_squeeze %dma_start3A_643 : memref<1x!tpu.dma_semaphore, #tpu.memory_space<semaphore_mem>> -> memref<!tpu.dma_semaphore, #tpu.memory_space<semaphore_mem>>
        %dma_start3A_645 = arith.constant 0 : i32
        %dma_start3A_646 = tpu.memref_slice %arg14[%dma_start3A_635, %dma_start3A_645] : memref<2x400xi32, #tpu.memory_space<vmem>> -> memref<1x400xi32, #tpu.memory_space<vmem>>
        %dma_start3A_647 = tpu.memref_squeeze %dma_start3A_646 : memref<1x400xi32, #tpu.memory_space<vmem>> -> memref<400xi32, #tpu.memory_space<vmem>>
        %dma_start3A_648 = arith.constant 0 : i32
        %dma_start3A_649 = tpu.memref_slice %arg4[%add3A_602, %dma_start3A_648] : memref<2048x400xi32, #tpu.memory_space<hbm>> -> memref<1x400xi32, #tpu.memory_space<hbm>>
        %dma_start3A_650 = tpu.memref_squeeze %dma_start3A_649 : memref<1x400xi32, #tpu.memory_space<hbm>> -> memref<400xi32, #tpu.memory_space<hbm>>
        tpu.enqueue_dma source(%dma_start3A_650 : memref<400xi32, #tpu.memory_space<hbm>>) target(%dma_start3A_647 : memref<400xi32, #tpu.memory_space<vmem>>) target_semaphore(%dma_start3A_644 : memref<!tpu.dma_semaphore, #tpu.memory_space<semaphore_mem>>)
        %add3A_651 = arith.addi %mul3A_4, %add3A_438 : i32
        %sub3A_652 = arith.constant 1 : i32
        %sub3A_653 = arith.subi %add3A_651, %sub3A_652 : i32
        %mul3A_654 = arith.constant 400 : i32
        %mul3A_655 = arith.muli %sub3A_653, %mul3A_654 : i32
        %dma_start3A_656 = arith.constant 0 : i32
        %dma_start3A_657 = arith.constant 0 : i32
        %dma_start3A_658 = arith.constant 0 : i32
        %dma_start3A_659 = tpu.memref_slice %arg15[%cond3A_546, %dma_start3A_657, %dma_start3A_658] : memref<2x400x64xf32, #tpu.memory_space<vmem>> -> memref<1x400x64xf32, #tpu.memory_space<vmem>>
        %dma_start3A_660 = tpu.memref_squeeze %dma_start3A_659 : memref<1x400x64xf32, #tpu.memory_space<vmem>> -> memref<400x64xf32, #tpu.memory_space<vmem>>
        %dma_start3A_661 = arith.constant 0 : i32
        %dma_start3A_662 = tpu.memref_slice %arg8[%mul3A_655, %dma_start3A_661] : memref<819200x128xf32, #tpu.memory_space<hbm>> -> memref<400x64xf32, #tpu.memory_space<hbm>>
        %dma_start3A_663 = tpu.memref_slice %arg20[%dma_start3A_656] : memref<2x!tpu.dma_semaphore, #tpu.memory_space<semaphore_mem>> -> memref<1x!tpu.dma_semaphore, #tpu.memory_space<semaphore_mem>>
        %dma_start3A_664 = tpu.memref_squeeze %dma_start3A_663 : memref<1x!tpu.dma_semaphore, #tpu.memory_space<semaphore_mem>> -> memref<!tpu.dma_semaphore, #tpu.memory_space<semaphore_mem>>
        %dma_start3A_665 = arith.constant 0 : i32
        %dma_start3A_666 = tpu.memref_slice %arg8[%mul3A_655, %dma_start3A_665] : memref<819200x128xf32, #tpu.memory_space<hbm>> -> memref<400x64xf32, #tpu.memory_space<hbm>>
        %dma_start3A_667 = arith.constant 0 : i32
        %dma_start3A_668 = arith.constant 0 : i32
        %dma_start3A_669 = tpu.memref_slice %arg15[%cond3A_546, %dma_start3A_667, %dma_start3A_668] : memref<2x400x64xf32, #tpu.memory_space<vmem>> -> memref<1x400x64xf32, #tpu.memory_space<vmem>>
        %dma_start3A_670 = tpu.memref_squeeze %dma_start3A_669 : memref<1x400x64xf32, #tpu.memory_space<vmem>> -> memref<400x64xf32, #tpu.memory_space<vmem>>
        tpu.enqueue_dma source(%dma_start3A_670 : memref<400x64xf32, #tpu.memory_space<vmem>>) target(%dma_start3A_666 : memref<400x64xf32, #tpu.memory_space<hbm>>) target_semaphore(%dma_start3A_664 : memref<!tpu.dma_semaphore, #tpu.memory_space<semaphore_mem>>)
        %dma_start3A_671 = arith.constant 0 : i32
        %dma_start3A_672 = arith.constant 0 : i32
        %dma_start3A_673 = arith.constant 0 : i32
        %dma_start3A_674 = tpu.memref_slice %arg16[%cond3A_547, %dma_start3A_672, %dma_start3A_673] : memref<2x400x32xf32, #tpu.memory_space<vmem>> -> memref<1x400x32xf32, #tpu.memory_space<vmem>>
        %dma_start3A_675 = tpu.memref_squeeze %dma_start3A_674 : memref<1x400x32xf32, #tpu.memory_space<vmem>> -> memref<400x32xf32, #tpu.memory_space<vmem>>
        %dma_start3A_676 = arith.constant 64 : i32
        %dma_start3A_677 = tpu.memref_slice %arg8[%mul3A_655, %dma_start3A_676] : memref<819200x128xf32, #tpu.memory_space<hbm>> -> memref<400x32xf32, #tpu.memory_space<hbm>>
        %dma_start3A_678 = tpu.memref_slice %arg20[%dma_start3A_671] : memref<2x!tpu.dma_semaphore, #tpu.memory_space<semaphore_mem>> -> memref<1x!tpu.dma_semaphore, #tpu.memory_space<semaphore_mem>>
        %dma_start3A_679 = tpu.memref_squeeze %dma_start3A_678 : memref<1x!tpu.dma_semaphore, #tpu.memory_space<semaphore_mem>> -> memref<!tpu.dma_semaphore, #tpu.memory_space<semaphore_mem>>
        %dma_start3A_680 = arith.constant 64 : i32
        %dma_start3A_681 = tpu.memref_slice %arg8[%mul3A_655, %dma_start3A_680] : memref<819200x128xf32, #tpu.memory_space<hbm>> -> memref<400x32xf32, #tpu.memory_space<hbm>>
        %dma_start3A_682 = arith.constant 0 : i32
        %dma_start3A_683 = arith.constant 0 : i32
        %dma_start3A_684 = tpu.memref_slice %arg16[%cond3A_547, %dma_start3A_682, %dma_start3A_683] : memref<2x400x32xf32, #tpu.memory_space<vmem>> -> memref<1x400x32xf32, #tpu.memory_space<vmem>>
        %dma_start3A_685 = tpu.memref_squeeze %dma_start3A_684 : memref<1x400x32xf32, #tpu.memory_space<vmem>> -> memref<400x32xf32, #tpu.memory_space<vmem>>
        tpu.enqueue_dma source(%dma_start3A_685 : memref<400x32xf32, #tpu.memory_space<vmem>>) target(%dma_start3A_681 : memref<400x32xf32, #tpu.memory_space<hbm>>) target_semaphore(%dma_start3A_679 : memref<!tpu.dma_semaphore, #tpu.memory_space<semaphore_mem>>)
        %dma_start3A_686 = arith.constant 0 : i32
        %dma_start3A_687 = arith.constant 0 : i32
        %dma_start3A_688 = arith.constant 0 : i32
        %dma_start3A_689 = tpu.memref_slice %arg17[%cond3A_548, %dma_start3A_687, %dma_start3A_688] : memref<2x400x32xf32, #tpu.memory_space<vmem>> -> memref<1x400x32xf32, #tpu.memory_space<vmem>>
        %dma_start3A_690 = tpu.memref_squeeze %dma_start3A_689 : memref<1x400x32xf32, #tpu.memory_space<vmem>> -> memref<400x32xf32, #tpu.memory_space<vmem>>
        %dma_start3A_691 = arith.constant 96 : i32
        %dma_start3A_692 = tpu.memref_slice %arg8[%mul3A_655, %dma_start3A_691] : memref<819200x128xf32, #tpu.memory_space<hbm>> -> memref<400x32xf32, #tpu.memory_space<hbm>>
        %dma_start3A_693 = tpu.memref_slice %arg20[%dma_start3A_686] : memref<2x!tpu.dma_semaphore, #tpu.memory_space<semaphore_mem>> -> memref<1x!tpu.dma_semaphore, #tpu.memory_space<semaphore_mem>>
        %dma_start3A_694 = tpu.memref_squeeze %dma_start3A_693 : memref<1x!tpu.dma_semaphore, #tpu.memory_space<semaphore_mem>> -> memref<!tpu.dma_semaphore, #tpu.memory_space<semaphore_mem>>
        %dma_start3A_695 = arith.constant 96 : i32
        %dma_start3A_696 = tpu.memref_slice %arg8[%mul3A_655, %dma_start3A_695] : memref<819200x128xf32, #tpu.memory_space<hbm>> -> memref<400x32xf32, #tpu.memory_space<hbm>>
        %dma_start3A_697 = arith.constant 0 : i32
        %dma_start3A_698 = arith.constant 0 : i32
        %dma_start3A_699 = tpu.memref_slice %arg17[%cond3A_548, %dma_start3A_697, %dma_start3A_698] : memref<2x400x32xf32, #tpu.memory_space<vmem>> -> memref<1x400x32xf32, #tpu.memory_space<vmem>>
        %dma_start3A_700 = tpu.memref_squeeze %dma_start3A_699 : memref<1x400x32xf32, #tpu.memory_space<vmem>> -> memref<400x32xf32, #tpu.memory_space<vmem>>
        tpu.enqueue_dma source(%dma_start3A_700 : memref<400x32xf32, #tpu.memory_space<vmem>>) target(%dma_start3A_696 : memref<400x32xf32, #tpu.memory_space<hbm>>) target_semaphore(%dma_start3A_694 : memref<!tpu.dma_semaphore, #tpu.memory_space<semaphore_mem>>)
      } else {
      }
      %eq3A_551 = arith.constant 0 : i32
      %eq3A_552 = arith.cmpi eq, %add3A_438, %eq3A_551 : i32
      %convert_element_type3A_553 = arith.extui %eq3A_552 : i1 to i32
      %cond3A_554 = arith.constant 0 : i32
      %cond3A_555 = arith.cmpi ne, %convert_element_type3A_553, %cond3A_554 : i32
      scf.if %cond3A_555 {
        %rem3A_556 = arith.constant 1 : i32
        %rem3A_557 = arith.constant 64 : i32
        %rem3A_558 = arith.remsi %rem3A_556, %rem3A_557 : i32
        %add3A_559 = arith.addi %mul3A_4, %rem3A_558 : i32
        %dma_start3A_560 = arith.constant 0 : i32
        %dma_start3A_561 = arith.constant 0 : i32
        %dma_start3A_562 = arith.constant 0 : i32
        %dma_start3A_563 = tpu.memref_slice %arg12[%dma_start3A_560, %dma_start3A_562] : memref<2x400xi32, #tpu.memory_space<vmem>> -> memref<1x400xi32, #tpu.memory_space<vmem>>
        %dma_start3A_564 = tpu.memref_squeeze %dma_start3A_563 : memref<1x400xi32, #tpu.memory_space<vmem>> -> memref<400xi32, #tpu.memory_space<vmem>>
        %dma_start3A_565 = arith.constant 0 : i32
        %dma_start3A_566 = tpu.memref_slice %arg2[%add3A_559, %dma_start3A_565] : memref<2048x400xi32, #tpu.memory_space<hbm>> -> memref<1x400xi32, #tpu.memory_space<hbm>>
        %dma_start3A_567 = tpu.memref_squeeze %dma_start3A_566 : memref<1x400xi32, #tpu.memory_space<hbm>> -> memref<400xi32, #tpu.memory_space<hbm>>
        %dma_start3A_568 = tpu.memref_slice %arg18[%dma_start3A_561] : memref<2x!tpu.dma_semaphore, #tpu.memory_space<semaphore_mem>> -> memref<1x!tpu.dma_semaphore, #tpu.memory_space<semaphore_mem>>
        %dma_start3A_569 = tpu.memref_squeeze %dma_start3A_568 : memref<1x!tpu.dma_semaphore, #tpu.memory_space<semaphore_mem>> -> memref<!tpu.dma_semaphore, #tpu.memory_space<semaphore_mem>>
        %dma_start3A_570 = arith.constant 0 : i32
        %dma_start3A_571 = tpu.memref_slice %arg12[%dma_start3A_560, %dma_start3A_570] : memref<2x400xi32, #tpu.memory_space<vmem>> -> memref<1x400xi32, #tpu.memory_space<vmem>>
        %dma_start3A_572 = tpu.memref_squeeze %dma_start3A_571 : memref<1x400xi32, #tpu.memory_space<vmem>> -> memref<400xi32, #tpu.memory_space<vmem>>
        %dma_start3A_573 = arith.constant 0 : i32
        %dma_start3A_574 = tpu.memref_slice %arg2[%add3A_559, %dma_start3A_573] : memref<2048x400xi32, #tpu.memory_space<hbm>> -> memref<1x400xi32, #tpu.memory_space<hbm>>
        %dma_start3A_575 = tpu.memref_squeeze %dma_start3A_574 : memref<1x400xi32, #tpu.memory_space<hbm>> -> memref<400xi32, #tpu.memory_space<hbm>>
        tpu.enqueue_dma source(%dma_start3A_575 : memref<400xi32, #tpu.memory_space<hbm>>) target(%dma_start3A_572 : memref<400xi32, #tpu.memory_space<vmem>>) target_semaphore(%dma_start3A_569 : memref<!tpu.dma_semaphore, #tpu.memory_space<semaphore_mem>>)
        %dma_start3A_576 = arith.constant 0 : i32
        %dma_start3A_577 = arith.constant 0 : i32
        %dma_start3A_578 = arith.constant 0 : i32
        %dma_start3A_579 = tpu.memref_slice %arg13[%dma_start3A_576, %dma_start3A_578] : memref<2x400xi32, #tpu.memory_space<vmem>> -> memref<1x400xi32, #tpu.memory_space<vmem>>
        %dma_start3A_580 = tpu.memref_squeeze %dma_start3A_579 : memref<1x400xi32, #tpu.memory_space<vmem>> -> memref<400xi32, #tpu.memory_space<vmem>>
        %dma_start3A_581 = arith.constant 0 : i32
        %dma_start3A_582 = tpu.memref_slice %arg3[%add3A_559, %dma_start3A_581] : memref<2048x400xi32, #tpu.memory_space<hbm>> -> memref<1x400xi32, #tpu.memory_space<hbm>>
        %dma_start3A_583 = tpu.memref_squeeze %dma_start3A_582 : memref<1x400xi32, #tpu.memory_space<hbm>> -> memref<400xi32, #tpu.memory_space<hbm>>
        %dma_start3A_584 = tpu.memref_slice %arg18[%dma_start3A_577] : memref<2x!tpu.dma_semaphore, #tpu.memory_space<semaphore_mem>> -> memref<1x!tpu.dma_semaphore, #tpu.memory_space<semaphore_mem>>
        %dma_start3A_585 = tpu.memref_squeeze %dma_start3A_584 : memref<1x!tpu.dma_semaphore, #tpu.memory_space<semaphore_mem>> -> memref<!tpu.dma_semaphore, #tpu.memory_space<semaphore_mem>>
        %dma_start3A_586 = arith.constant 0 : i32
        %dma_start3A_587 = tpu.memref_slice %arg13[%dma_start3A_576, %dma_start3A_586] : memref<2x400xi32, #tpu.memory_space<vmem>> -> memref<1x400xi32, #tpu.memory_space<vmem>>
        %dma_start3A_588 = tpu.memref_squeeze %dma_start3A_587 : memref<1x400xi32, #tpu.memory_space<vmem>> -> memref<400xi32, #tpu.memory_space<vmem>>
        %dma_start3A_589 = arith.constant 0 : i32
        %dma_start3A_590 = tpu.memref_slice %arg3[%add3A_559, %dma_start3A_589] : memref<2048x400xi32, #tpu.memory_space<hbm>> -> memref<1x400xi32, #tpu.memory_space<hbm>>
        %dma_start3A_591 = tpu.memref_squeeze %dma_start3A_590 : memref<1x400xi32, #tpu.memory_space<hbm>> -> memref<400xi32, #tpu.memory_space<hbm>>
        tpu.enqueue_dma source(%dma_start3A_591 : memref<400xi32, #tpu.memory_space<hbm>>) target(%dma_start3A_588 : memref<400xi32, #tpu.memory_space<vmem>>) target_semaphore(%dma_start3A_585 : memref<!tpu.dma_semaphore, #tpu.memory_space<semaphore_mem>>)
        %dma_start3A_592 = arith.constant 0 : i32
        %dma_start3A_593 = arith.constant 0 : i32
        %dma_start3A_594 = arith.constant 0 : i32
        %dma_start3A_595 = tpu.memref_slice %arg14[%dma_start3A_592, %dma_start3A_594] : memref<2x400xi32, #tpu.memory_space<vmem>> -> memref<1x400xi32, #tpu.memory_space<vmem>>
        %dma_start3A_596 = tpu.memref_squeeze %dma_start3A_595 : memref<1x400xi32, #tpu.memory_space<vmem>> -> memref<400xi32, #tpu.memory_space<vmem>>
        %dma_start3A_597 = arith.constant 0 : i32
        %dma_start3A_598 = tpu.memref_slice %arg4[%add3A_559, %dma_start3A_597] : memref<2048x400xi32, #tpu.memory_space<hbm>> -> memref<1x400xi32, #tpu.memory_space<hbm>>
        %dma_start3A_599 = tpu.memref_squeeze %dma_start3A_598 : memref<1x400xi32, #tpu.memory_space<hbm>> -> memref<400xi32, #tpu.memory_space<hbm>>
        %dma_start3A_600 = tpu.memref_slice %arg18[%dma_start3A_593] : memref<2x!tpu.dma_semaphore, #tpu.memory_space<semaphore_mem>> -> memref<1x!tpu.dma_semaphore, #tpu.memory_space<semaphore_mem>>
        %dma_start3A_601 = tpu.memref_squeeze %dma_start3A_600 : memref<1x!tpu.dma_semaphore, #tpu.memory_space<semaphore_mem>> -> memref<!tpu.dma_semaphore, #tpu.memory_space<semaphore_mem>>
        %dma_start3A_602 = arith.constant 0 : i32
        %dma_start3A_603 = tpu.memref_slice %arg14[%dma_start3A_592, %dma_start3A_602] : memref<2x400xi32, #tpu.memory_space<vmem>> -> memref<1x400xi32, #tpu.memory_space<vmem>>
        %dma_start3A_604 = tpu.memref_squeeze %dma_start3A_603 : memref<1x400xi32, #tpu.memory_space<vmem>> -> memref<400xi32, #tpu.memory_space<vmem>>
        %dma_start3A_605 = arith.constant 0 : i32
        %dma_start3A_606 = tpu.memref_slice %arg4[%add3A_559, %dma_start3A_605] : memref<2048x400xi32, #tpu.memory_space<hbm>> -> memref<1x400xi32, #tpu.memory_space<hbm>>
        %dma_start3A_607 = tpu.memref_squeeze %dma_start3A_606 : memref<1x400xi32, #tpu.memory_space<hbm>> -> memref<400xi32, #tpu.memory_space<hbm>>
        tpu.enqueue_dma source(%dma_start3A_607 : memref<400xi32, #tpu.memory_space<hbm>>) target(%dma_start3A_604 : memref<400xi32, #tpu.memory_space<vmem>>) target_semaphore(%dma_start3A_601 : memref<!tpu.dma_semaphore, #tpu.memory_space<semaphore_mem>>)
      } else {
      }
    }
    %scan3A_59 = arith.constant 32 : i32
    %dma_wait3A = arith.constant 1 : i32
    %dma_wait3A_60 = arith.constant 1 : i32
    %dma_wait3A_61 = arith.constant 1 : i32
    %dma_wait3A_62 = arith.constant 0 : i32
    %dma_wait3A_63 = arith.constant 0 : i32
    %dma_wait3A_64 = tpu.memref_slice %arg15[%dma_wait3A_60, %dma_wait3A_62, %dma_wait3A_63] : memref<2x400x64xf32, #tpu.memory_space<vmem>> -> memref<1x400x64xf32, #tpu.memory_space<vmem>>
    %dma_wait3A_65 = tpu.memref_squeeze %dma_wait3A_64 : memref<1x400x64xf32, #tpu.memory_space<vmem>> -> memref<400x64xf32, #tpu.memory_space<vmem>>
    %dma_wait3A_66 = arith.constant 0 : i32
    %dma_wait3A_67 = tpu.memref_slice %arg12[%dma_wait3A, %dma_wait3A_66] : memref<2x400xi32, #tpu.memory_space<vmem>> -> memref<1x400xi32, #tpu.memory_space<vmem>>
    %dma_wait3A_68 = tpu.memref_squeeze %dma_wait3A_67 : memref<1x400xi32, #tpu.memory_space<vmem>> -> memref<400xi32, #tpu.memory_space<vmem>>
    %dma_wait3A_69 = arith.constant 0 : i32
    %dma_wait3A_70 = arith.constant 0 : i32
    %dma_wait3A_71 = tpu.memref_slice %arg9[%dma_wait3A_69, %dma_wait3A_70] : memref<2048x64xf32, #tpu.memory_space<vmem_shared>> -> memref<2048x64xf32, #tpu.memory_space<vmem_shared>>
    %dma_wait3A_72 = tpu.memref_slice %arg19[%dma_wait3A_61] : memref<2x!tpu.dma_semaphore, #tpu.memory_space<semaphore_mem>> -> memref<1x!tpu.dma_semaphore, #tpu.memory_space<semaphore_mem>>
    %dma_wait3A_73 = tpu.memref_squeeze %dma_wait3A_72 : memref<1x!tpu.dma_semaphore, #tpu.memory_space<semaphore_mem>> -> memref<!tpu.dma_semaphore, #tpu.memory_space<semaphore_mem>>
    tpu.wait_indirect_dma semaphore(%dma_wait3A_73 : memref<!tpu.dma_semaphore, #tpu.memory_space<semaphore_mem>>) src(%dma_wait3A_71 : memref<2048x64xf32, #tpu.memory_space<vmem_shared>>) dst(%dma_wait3A_65 : memref<400x64xf32, #tpu.memory_space<vmem>>)
    %dma_wait3A_74 = arith.constant 1 : i32
    %dma_wait3A_75 = arith.constant 1 : i32
    %dma_wait3A_76 = arith.constant 1 : i32
    %dma_wait3A_77 = arith.constant 0 : i32
    %dma_wait3A_78 = arith.constant 0 : i32
    %dma_wait3A_79 = tpu.memref_slice %arg16[%dma_wait3A_75, %dma_wait3A_77, %dma_wait3A_78] : memref<2x400x32xf32, #tpu.memory_space<vmem>> -> memref<1x400x32xf32, #tpu.memory_space<vmem>>
    %dma_wait3A_80 = tpu.memref_squeeze %dma_wait3A_79 : memref<1x400x32xf32, #tpu.memory_space<vmem>> -> memref<400x32xf32, #tpu.memory_space<vmem>>
    %dma_wait3A_81 = arith.constant 0 : i32
    %dma_wait3A_82 = tpu.memref_slice %arg13[%dma_wait3A_74, %dma_wait3A_81] : memref<2x400xi32, #tpu.memory_space<vmem>> -> memref<1x400xi32, #tpu.memory_space<vmem>>
    %dma_wait3A_83 = tpu.memref_squeeze %dma_wait3A_82 : memref<1x400xi32, #tpu.memory_space<vmem>> -> memref<400xi32, #tpu.memory_space<vmem>>
    %dma_wait3A_84 = arith.constant 0 : i32
    %dma_wait3A_85 = arith.constant 0 : i32
    %dma_wait3A_86 = tpu.memref_slice %arg10[%dma_wait3A_84, %dma_wait3A_85] : memref<2048x32xf32, #tpu.memory_space<vmem_shared>> -> memref<2048x32xf32, #tpu.memory_space<vmem_shared>>
    %dma_wait3A_87 = tpu.memref_slice %arg19[%dma_wait3A_76] : memref<2x!tpu.dma_semaphore, #tpu.memory_space<semaphore_mem>> -> memref<1x!tpu.dma_semaphore, #tpu.memory_space<semaphore_mem>>
    %dma_wait3A_88 = tpu.memref_squeeze %dma_wait3A_87 : memref<1x!tpu.dma_semaphore, #tpu.memory_space<semaphore_mem>> -> memref<!tpu.dma_semaphore, #tpu.memory_space<semaphore_mem>>
    tpu.wait_indirect_dma semaphore(%dma_wait3A_88 : memref<!tpu.dma_semaphore, #tpu.memory_space<semaphore_mem>>) src(%dma_wait3A_86 : memref<2048x32xf32, #tpu.memory_space<vmem_shared>>) dst(%dma_wait3A_80 : memref<400x32xf32, #tpu.memory_space<vmem>>)
    %dma_wait3A_89 = arith.constant 1 : i32
    %dma_wait3A_90 = arith.constant 1 : i32
    %dma_wait3A_91 = arith.constant 1 : i32
    %dma_wait3A_92 = arith.constant 0 : i32
    %dma_wait3A_93 = arith.constant 0 : i32
    %dma_wait3A_94 = tpu.memref_slice %arg17[%dma_wait3A_90, %dma_wait3A_92, %dma_wait3A_93] : memref<2x400x32xf32, #tpu.memory_space<vmem>> -> memref<1x400x32xf32, #tpu.memory_space<vmem>>
    %dma_wait3A_95 = tpu.memref_squeeze %dma_wait3A_94 : memref<1x400x32xf32, #tpu.memory_space<vmem>> -> memref<400x32xf32, #tpu.memory_space<vmem>>
    %dma_wait3A_96 = arith.constant 0 : i32
    %dma_wait3A_97 = tpu.memref_slice %arg14[%dma_wait3A_89, %dma_wait3A_96] : memref<2x400xi32, #tpu.memory_space<vmem>> -> memref<1x400xi32, #tpu.memory_space<vmem>>
    %dma_wait3A_98 = tpu.memref_squeeze %dma_wait3A_97 : memref<1x400xi32, #tpu.memory_space<vmem>> -> memref<400xi32, #tpu.memory_space<vmem>>
    %dma_wait3A_99 = arith.constant 0 : i32
    %dma_wait3A_100 = arith.constant 0 : i32
    %dma_wait3A_101 = tpu.memref_slice %arg11[%dma_wait3A_99, %dma_wait3A_100] : memref<512x32xf32, #tpu.memory_space<vmem_shared>> -> memref<512x32xf32, #tpu.memory_space<vmem_shared>>
    %dma_wait3A_102 = tpu.memref_slice %arg19[%dma_wait3A_91] : memref<2x!tpu.dma_semaphore, #tpu.memory_space<semaphore_mem>> -> memref<1x!tpu.dma_semaphore, #tpu.memory_space<semaphore_mem>>
    %dma_wait3A_103 = tpu.memref_squeeze %dma_wait3A_102 : memref<1x!tpu.dma_semaphore, #tpu.memory_space<semaphore_mem>> -> memref<!tpu.dma_semaphore, #tpu.memory_space<semaphore_mem>>
    tpu.wait_indirect_dma semaphore(%dma_wait3A_103 : memref<!tpu.dma_semaphore, #tpu.memory_space<semaphore_mem>>) src(%dma_wait3A_101 : memref<512x32xf32, #tpu.memory_space<vmem_shared>>) dst(%dma_wait3A_95 : memref<400x32xf32, #tpu.memory_space<vmem>>)
    %add3A_104 = arith.constant 64 : i32
    %add3A_105 = arith.addi %mul3A_4, %add3A_104 : i32
    %sub3A = arith.constant 1 : i32
    %sub3A_106 = arith.subi %add3A_105, %sub3A : i32
    %mul3A_107 = arith.constant 400 : i32
    %mul3A_108 = arith.muli %sub3A_106, %mul3A_107 : i32
    %dma_start3A_109 = arith.constant 1 : i32
    %dma_start3A_110 = arith.constant 1 : i32
    %dma_start3A_111 = arith.constant 0 : i32
    %dma_start3A_112 = arith.constant 0 : i32
    %dma_start3A_113 = tpu.memref_slice %arg15[%dma_start3A_109, %dma_start3A_111, %dma_start3A_112] : memref<2x400x64xf32, #tpu.memory_space<vmem>> -> memref<1x400x64xf32, #tpu.memory_space<vmem>>
    %dma_start3A_114 = tpu.memref_squeeze %dma_start3A_113 : memref<1x400x64xf32, #tpu.memory_space<vmem>> -> memref<400x64xf32, #tpu.memory_space<vmem>>
    %dma_start3A_115 = arith.constant 0 : i32
    %dma_start3A_116 = tpu.memref_slice %arg8[%mul3A_108, %dma_start3A_115] : memref<819200x128xf32, #tpu.memory_space<hbm>> -> memref<400x64xf32, #tpu.memory_space<hbm>>
    %dma_start3A_117 = tpu.memref_slice %arg20[%dma_start3A_110] : memref<2x!tpu.dma_semaphore, #tpu.memory_space<semaphore_mem>> -> memref<1x!tpu.dma_semaphore, #tpu.memory_space<semaphore_mem>>
    %dma_start3A_118 = tpu.memref_squeeze %dma_start3A_117 : memref<1x!tpu.dma_semaphore, #tpu.memory_space<semaphore_mem>> -> memref<!tpu.dma_semaphore, #tpu.memory_space<semaphore_mem>>
    %dma_start3A_119 = arith.constant 0 : i32
    %dma_start3A_120 = tpu.memref_slice %arg8[%mul3A_108, %dma_start3A_119] : memref<819200x128xf32, #tpu.memory_space<hbm>> -> memref<400x64xf32, #tpu.memory_space<hbm>>
    %dma_start3A_121 = arith.constant 0 : i32
    %dma_start3A_122 = arith.constant 0 : i32
    %dma_start3A_123 = tpu.memref_slice %arg15[%dma_start3A_109, %dma_start3A_121, %dma_start3A_122] : memref<2x400x64xf32, #tpu.memory_space<vmem>> -> memref<1x400x64xf32, #tpu.memory_space<vmem>>
    %dma_start3A_124 = tpu.memref_squeeze %dma_start3A_123 : memref<1x400x64xf32, #tpu.memory_space<vmem>> -> memref<400x64xf32, #tpu.memory_space<vmem>>
    tpu.enqueue_dma source(%dma_start3A_124 : memref<400x64xf32, #tpu.memory_space<vmem>>) target(%dma_start3A_120 : memref<400x64xf32, #tpu.memory_space<hbm>>) target_semaphore(%dma_start3A_118 : memref<!tpu.dma_semaphore, #tpu.memory_space<semaphore_mem>>)
    %dma_start3A_125 = arith.constant 1 : i32
    %dma_start3A_126 = arith.constant 1 : i32
    %dma_start3A_127 = arith.constant 0 : i32
    %dma_start3A_128 = arith.constant 0 : i32
    %dma_start3A_129 = tpu.memref_slice %arg16[%dma_start3A_125, %dma_start3A_127, %dma_start3A_128] : memref<2x400x32xf32, #tpu.memory_space<vmem>> -> memref<1x400x32xf32, #tpu.memory_space<vmem>>
    %dma_start3A_130 = tpu.memref_squeeze %dma_start3A_129 : memref<1x400x32xf32, #tpu.memory_space<vmem>> -> memref<400x32xf32, #tpu.memory_space<vmem>>
    %dma_start3A_131 = arith.constant 64 : i32
    %dma_start3A_132 = tpu.memref_slice %arg8[%mul3A_108, %dma_start3A_131] : memref<819200x128xf32, #tpu.memory_space<hbm>> -> memref<400x32xf32, #tpu.memory_space<hbm>>
    %dma_start3A_133 = tpu.memref_slice %arg20[%dma_start3A_126] : memref<2x!tpu.dma_semaphore, #tpu.memory_space<semaphore_mem>> -> memref<1x!tpu.dma_semaphore, #tpu.memory_space<semaphore_mem>>
    %dma_start3A_134 = tpu.memref_squeeze %dma_start3A_133 : memref<1x!tpu.dma_semaphore, #tpu.memory_space<semaphore_mem>> -> memref<!tpu.dma_semaphore, #tpu.memory_space<semaphore_mem>>
    %dma_start3A_135 = arith.constant 64 : i32
    %dma_start3A_136 = tpu.memref_slice %arg8[%mul3A_108, %dma_start3A_135] : memref<819200x128xf32, #tpu.memory_space<hbm>> -> memref<400x32xf32, #tpu.memory_space<hbm>>
    %dma_start3A_137 = arith.constant 0 : i32
    %dma_start3A_138 = arith.constant 0 : i32
    %dma_start3A_139 = tpu.memref_slice %arg16[%dma_start3A_125, %dma_start3A_137, %dma_start3A_138] : memref<2x400x32xf32, #tpu.memory_space<vmem>> -> memref<1x400x32xf32, #tpu.memory_space<vmem>>
    %dma_start3A_140 = tpu.memref_squeeze %dma_start3A_139 : memref<1x400x32xf32, #tpu.memory_space<vmem>> -> memref<400x32xf32, #tpu.memory_space<vmem>>
    tpu.enqueue_dma source(%dma_start3A_140 : memref<400x32xf32, #tpu.memory_space<vmem>>) target(%dma_start3A_136 : memref<400x32xf32, #tpu.memory_space<hbm>>) target_semaphore(%dma_start3A_134 : memref<!tpu.dma_semaphore, #tpu.memory_space<semaphore_mem>>)
    %dma_start3A_141 = arith.constant 1 : i32
    %dma_start3A_142 = arith.constant 1 : i32
    %dma_start3A_143 = arith.constant 0 : i32
    %dma_start3A_144 = arith.constant 0 : i32
    %dma_start3A_145 = tpu.memref_slice %arg17[%dma_start3A_141, %dma_start3A_143, %dma_start3A_144] : memref<2x400x32xf32, #tpu.memory_space<vmem>> -> memref<1x400x32xf32, #tpu.memory_space<vmem>>
    %dma_start3A_146 = tpu.memref_squeeze %dma_start3A_145 : memref<1x400x32xf32, #tpu.memory_space<vmem>> -> memref<400x32xf32, #tpu.memory_space<vmem>>
    %dma_start3A_147 = arith.constant 96 : i32
    %dma_start3A_148 = tpu.memref_slice %arg8[%mul3A_108, %dma_start3A_147] : memref<819200x128xf32, #tpu.memory_space<hbm>> -> memref<400x32xf32, #tpu.memory_space<hbm>>
    %dma_start3A_149 = tpu.memref_slice %arg20[%dma_start3A_142] : memref<2x!tpu.dma_semaphore, #tpu.memory_space<semaphore_mem>> -> memref<1x!tpu.dma_semaphore, #tpu.memory_space<semaphore_mem>>
    %dma_start3A_150 = tpu.memref_squeeze %dma_start3A_149 : memref<1x!tpu.dma_semaphore, #tpu.memory_space<semaphore_mem>> -> memref<!tpu.dma_semaphore, #tpu.memory_space<semaphore_mem>>
    %dma_start3A_151 = arith.constant 96 : i32
    %dma_start3A_152 = tpu.memref_slice %arg8[%mul3A_108, %dma_start3A_151] : memref<819200x128xf32, #tpu.memory_space<hbm>> -> memref<400x32xf32, #tpu.memory_space<hbm>>
    %dma_start3A_153 = arith.constant 0 : i32
    %dma_start3A_154 = arith.constant 0 : i32
    %dma_start3A_155 = tpu.memref_slice %arg17[%dma_start3A_141, %dma_start3A_153, %dma_start3A_154] : memref<2x400x32xf32, #tpu.memory_space<vmem>> -> memref<1x400x32xf32, #tpu.memory_space<vmem>>
    %dma_start3A_156 = tpu.memref_squeeze %dma_start3A_155 : memref<1x400x32xf32, #tpu.memory_space<vmem>> -> memref<400x32xf32, #tpu.memory_space<vmem>>
    tpu.enqueue_dma source(%dma_start3A_156 : memref<400x32xf32, #tpu.memory_space<vmem>>) target(%dma_start3A_152 : memref<400x32xf32, #tpu.memory_space<hbm>>) target_semaphore(%dma_start3A_150 : memref<!tpu.dma_semaphore, #tpu.memory_space<semaphore_mem>>)
    %dma_wait3A_157 = arith.constant 0 : i32
    %dma_wait3A_158 = arith.constant 0 : i32
    %dma_wait3A_159 = arith.constant 0 : i32
    %dma_wait3A_160 = arith.constant 0 : i32
    %dma_wait3A_161 = tpu.memref_slice %arg15[%dma_wait3A_157, %dma_wait3A_159, %dma_wait3A_160] : memref<2x400x64xf32, #tpu.memory_space<vmem>> -> memref<1x400x64xf32, #tpu.memory_space<vmem>>
    %dma_wait3A_162 = tpu.memref_squeeze %dma_wait3A_161 : memref<1x400x64xf32, #tpu.memory_space<vmem>> -> memref<400x64xf32, #tpu.memory_space<vmem>>
    %dma_wait3A_163 = arith.constant 0 : i32
    %dma_wait3A_164 = arith.constant 0 : i32
    %dma_wait3A_165 = tpu.memref_slice %arg8[%dma_wait3A_163, %dma_wait3A_164] : memref<819200x128xf32, #tpu.memory_space<hbm>> -> memref<400x64xf32, #tpu.memory_space<hbm>>
    %dma_wait3A_166 = tpu.memref_slice %arg20[%dma_wait3A_158] : memref<2x!tpu.dma_semaphore, #tpu.memory_space<semaphore_mem>> -> memref<1x!tpu.dma_semaphore, #tpu.memory_space<semaphore_mem>>
    %dma_wait3A_167 = tpu.memref_squeeze %dma_wait3A_166 : memref<1x!tpu.dma_semaphore, #tpu.memory_space<semaphore_mem>> -> memref<!tpu.dma_semaphore, #tpu.memory_space<semaphore_mem>>
    %dma_wait3A_168 = arith.constant 0 : i32
    %dma_wait3A_169 = arith.constant 0 : i32
    %dma_wait3A_170 = tpu.memref_slice %arg8[%dma_wait3A_168, %dma_wait3A_169] : memref<819200x128xf32, #tpu.memory_space<hbm>> -> memref<400x64xf32, #tpu.memory_space<hbm>>
    %dma_wait3A_171 = arith.constant 0 : i32
    %dma_wait3A_172 = arith.constant 0 : i32
    %dma_wait3A_173 = tpu.memref_slice %arg15[%dma_wait3A_157, %dma_wait3A_171, %dma_wait3A_172] : memref<2x400x64xf32, #tpu.memory_space<vmem>> -> memref<1x400x64xf32, #tpu.memory_space<vmem>>
    %dma_wait3A_174 = tpu.memref_squeeze %dma_wait3A_173 : memref<1x400x64xf32, #tpu.memory_space<vmem>> -> memref<400x64xf32, #tpu.memory_space<vmem>>
    tpu.wait_dma2 semaphore(%dma_wait3A_167 : memref<!tpu.dma_semaphore, #tpu.memory_space<semaphore_mem>>) src(%dma_wait3A_174 : memref<400x64xf32, #tpu.memory_space<vmem>>) dst(%dma_wait3A_170 : memref<400x64xf32, #tpu.memory_space<hbm>>)
    %dma_wait3A_175 = arith.constant 0 : i32
    %dma_wait3A_176 = arith.constant 0 : i32
    %dma_wait3A_177 = arith.constant 0 : i32
    %dma_wait3A_178 = arith.constant 0 : i32
    %dma_wait3A_179 = tpu.memref_slice %arg16[%dma_wait3A_175, %dma_wait3A_177, %dma_wait3A_178] : memref<2x400x32xf32, #tpu.memory_space<vmem>> -> memref<1x400x32xf32, #tpu.memory_space<vmem>>
    %dma_wait3A_180 = tpu.memref_squeeze %dma_wait3A_179 : memref<1x400x32xf32, #tpu.memory_space<vmem>> -> memref<400x32xf32, #tpu.memory_space<vmem>>
    %dma_wait3A_181 = arith.constant 0 : i32
    %dma_wait3A_182 = arith.constant 64 : i32
    %dma_wait3A_183 = tpu.memref_slice %arg8[%dma_wait3A_181, %dma_wait3A_182] : memref<819200x128xf32, #tpu.memory_space<hbm>> -> memref<400x32xf32, #tpu.memory_space<hbm>>
    %dma_wait3A_184 = tpu.memref_slice %arg20[%dma_wait3A_176] : memref<2x!tpu.dma_semaphore, #tpu.memory_space<semaphore_mem>> -> memref<1x!tpu.dma_semaphore, #tpu.memory_space<semaphore_mem>>
    %dma_wait3A_185 = tpu.memref_squeeze %dma_wait3A_184 : memref<1x!tpu.dma_semaphore, #tpu.memory_space<semaphore_mem>> -> memref<!tpu.dma_semaphore, #tpu.memory_space<semaphore_mem>>
    %dma_wait3A_186 = arith.constant 0 : i32
    %dma_wait3A_187 = arith.constant 64 : i32
    %dma_wait3A_188 = tpu.memref_slice %arg8[%dma_wait3A_186, %dma_wait3A_187] : memref<819200x128xf32, #tpu.memory_space<hbm>> -> memref<400x32xf32, #tpu.memory_space<hbm>>
    %dma_wait3A_189 = arith.constant 0 : i32
    %dma_wait3A_190 = arith.constant 0 : i32
    %dma_wait3A_191 = tpu.memref_slice %arg16[%dma_wait3A_175, %dma_wait3A_189, %dma_wait3A_190] : memref<2x400x32xf32, #tpu.memory_space<vmem>> -> memref<1x400x32xf32, #tpu.memory_space<vmem>>
    %dma_wait3A_192 = tpu.memref_squeeze %dma_wait3A_191 : memref<1x400x32xf32, #tpu.memory_space<vmem>> -> memref<400x32xf32, #tpu.memory_space<vmem>>
    tpu.wait_dma2 semaphore(%dma_wait3A_185 : memref<!tpu.dma_semaphore, #tpu.memory_space<semaphore_mem>>) src(%dma_wait3A_192 : memref<400x32xf32, #tpu.memory_space<vmem>>) dst(%dma_wait3A_188 : memref<400x32xf32, #tpu.memory_space<hbm>>)
    %dma_wait3A_193 = arith.constant 0 : i32
    %dma_wait3A_194 = arith.constant 0 : i32
    %dma_wait3A_195 = arith.constant 0 : i32
    %dma_wait3A_196 = arith.constant 0 : i32
    %dma_wait3A_197 = tpu.memref_slice %arg17[%dma_wait3A_193, %dma_wait3A_195, %dma_wait3A_196] : memref<2x400x32xf32, #tpu.memory_space<vmem>> -> memref<1x400x32xf32, #tpu.memory_space<vmem>>
    %dma_wait3A_198 = tpu.memref_squeeze %dma_wait3A_197 : memref<1x400x32xf32, #tpu.memory_space<vmem>> -> memref<400x32xf32, #tpu.memory_space<vmem>>
    %dma_wait3A_199 = arith.constant 0 : i32
    %dma_wait3A_200 = arith.constant 96 : i32
    %dma_wait3A_201 = tpu.memref_slice %arg8[%dma_wait3A_199, %dma_wait3A_200] : memref<819200x128xf32, #tpu.memory_space<hbm>> -> memref<400x32xf32, #tpu.memory_space<hbm>>
    %dma_wait3A_202 = tpu.memref_slice %arg20[%dma_wait3A_194] : memref<2x!tpu.dma_semaphore, #tpu.memory_space<semaphore_mem>> -> memref<1x!tpu.dma_semaphore, #tpu.memory_space<semaphore_mem>>
    %dma_wait3A_203 = tpu.memref_squeeze %dma_wait3A_202 : memref<1x!tpu.dma_semaphore, #tpu.memory_space<semaphore_mem>> -> memref<!tpu.dma_semaphore, #tpu.memory_space<semaphore_mem>>
    %dma_wait3A_204 = arith.constant 0 : i32
    %dma_wait3A_205 = arith.constant 96 : i32
    %dma_wait3A_206 = tpu.memref_slice %arg8[%dma_wait3A_204, %dma_wait3A_205] : memref<819200x128xf32, #tpu.memory_space<hbm>> -> memref<400x32xf32, #tpu.memory_space<hbm>>
    %dma_wait3A_207 = arith.constant 0 : i32
    %dma_wait3A_208 = arith.constant 0 : i32
    %dma_wait3A_209 = tpu.memref_slice %arg17[%dma_wait3A_193, %dma_wait3A_207, %dma_wait3A_208] : memref<2x400x32xf32, #tpu.memory_space<vmem>> -> memref<1x400x32xf32, #tpu.memory_space<vmem>>
    %dma_wait3A_210 = tpu.memref_squeeze %dma_wait3A_209 : memref<1x400x32xf32, #tpu.memory_space<vmem>> -> memref<400x32xf32, #tpu.memory_space<vmem>>
    tpu.wait_dma2 semaphore(%dma_wait3A_203 : memref<!tpu.dma_semaphore, #tpu.memory_space<semaphore_mem>>) src(%dma_wait3A_210 : memref<400x32xf32, #tpu.memory_space<vmem>>) dst(%dma_wait3A_206 : memref<400x32xf32, #tpu.memory_space<hbm>>)
    %dma_wait3A_211 = arith.constant 1 : i32
    %dma_wait3A_212 = arith.constant 1 : i32
    %dma_wait3A_213 = arith.constant 0 : i32
    %dma_wait3A_214 = arith.constant 0 : i32
    %dma_wait3A_215 = tpu.memref_slice %arg15[%dma_wait3A_211, %dma_wait3A_213, %dma_wait3A_214] : memref<2x400x64xf32, #tpu.memory_space<vmem>> -> memref<1x400x64xf32, #tpu.memory_space<vmem>>
    %dma_wait3A_216 = tpu.memref_squeeze %dma_wait3A_215 : memref<1x400x64xf32, #tpu.memory_space<vmem>> -> memref<400x64xf32, #tpu.memory_space<vmem>>
    %dma_wait3A_217 = arith.constant 0 : i32
    %dma_wait3A_218 = arith.constant 0 : i32
    %dma_wait3A_219 = tpu.memref_slice %arg8[%dma_wait3A_217, %dma_wait3A_218] : memref<819200x128xf32, #tpu.memory_space<hbm>> -> memref<400x64xf32, #tpu.memory_space<hbm>>
    %dma_wait3A_220 = tpu.memref_slice %arg20[%dma_wait3A_212] : memref<2x!tpu.dma_semaphore, #tpu.memory_space<semaphore_mem>> -> memref<1x!tpu.dma_semaphore, #tpu.memory_space<semaphore_mem>>
    %dma_wait3A_221 = tpu.memref_squeeze %dma_wait3A_220 : memref<1x!tpu.dma_semaphore, #tpu.memory_space<semaphore_mem>> -> memref<!tpu.dma_semaphore, #tpu.memory_space<semaphore_mem>>
    %dma_wait3A_222 = arith.constant 0 : i32
    %dma_wait3A_223 = arith.constant 0 : i32
    %dma_wait3A_224 = tpu.memref_slice %arg8[%dma_wait3A_222, %dma_wait3A_223] : memref<819200x128xf32, #tpu.memory_space<hbm>> -> memref<400x64xf32, #tpu.memory_space<hbm>>
    %dma_wait3A_225 = arith.constant 0 : i32
    %dma_wait3A_226 = arith.constant 0 : i32
    %dma_wait3A_227 = tpu.memref_slice %arg15[%dma_wait3A_211, %dma_wait3A_225, %dma_wait3A_226] : memref<2x400x64xf32, #tpu.memory_space<vmem>> -> memref<1x400x64xf32, #tpu.memory_space<vmem>>
    %dma_wait3A_228 = tpu.memref_squeeze %dma_wait3A_227 : memref<1x400x64xf32, #tpu.memory_space<vmem>> -> memref<400x64xf32, #tpu.memory_space<vmem>>
    tpu.wait_dma2 semaphore(%dma_wait3A_221 : memref<!tpu.dma_semaphore, #tpu.memory_space<semaphore_mem>>) src(%dma_wait3A_228 : memref<400x64xf32, #tpu.memory_space<vmem>>) dst(%dma_wait3A_224 : memref<400x64xf32, #tpu.memory_space<hbm>>)
    %dma_wait3A_229 = arith.constant 1 : i32
    %dma_wait3A_230 = arith.constant 1 : i32
    %dma_wait3A_231 = arith.constant 0 : i32
    %dma_wait3A_232 = arith.constant 0 : i32
    %dma_wait3A_233 = tpu.memref_slice %arg16[%dma_wait3A_229, %dma_wait3A_231, %dma_wait3A_232] : memref<2x400x32xf32, #tpu.memory_space<vmem>> -> memref<1x400x32xf32, #tpu.memory_space<vmem>>
    %dma_wait3A_234 = tpu.memref_squeeze %dma_wait3A_233 : memref<1x400x32xf32, #tpu.memory_space<vmem>> -> memref<400x32xf32, #tpu.memory_space<vmem>>
    %dma_wait3A_235 = arith.constant 0 : i32
    %dma_wait3A_236 = arith.constant 64 : i32
    %dma_wait3A_237 = tpu.memref_slice %arg8[%dma_wait3A_235, %dma_wait3A_236] : memref<819200x128xf32, #tpu.memory_space<hbm>> -> memref<400x32xf32, #tpu.memory_space<hbm>>
    %dma_wait3A_238 = tpu.memref_slice %arg20[%dma_wait3A_230] : memref<2x!tpu.dma_semaphore, #tpu.memory_space<semaphore_mem>> -> memref<1x!tpu.dma_semaphore, #tpu.memory_space<semaphore_mem>>
    %dma_wait3A_239 = tpu.memref_squeeze %dma_wait3A_238 : memref<1x!tpu.dma_semaphore, #tpu.memory_space<semaphore_mem>> -> memref<!tpu.dma_semaphore, #tpu.memory_space<semaphore_mem>>
    %dma_wait3A_240 = arith.constant 0 : i32
    %dma_wait3A_241 = arith.constant 64 : i32
    %dma_wait3A_242 = tpu.memref_slice %arg8[%dma_wait3A_240, %dma_wait3A_241] : memref<819200x128xf32, #tpu.memory_space<hbm>> -> memref<400x32xf32, #tpu.memory_space<hbm>>
    %dma_wait3A_243 = arith.constant 0 : i32
    %dma_wait3A_244 = arith.constant 0 : i32
    %dma_wait3A_245 = tpu.memref_slice %arg16[%dma_wait3A_229, %dma_wait3A_243, %dma_wait3A_244] : memref<2x400x32xf32, #tpu.memory_space<vmem>> -> memref<1x400x32xf32, #tpu.memory_space<vmem>>
    %dma_wait3A_246 = tpu.memref_squeeze %dma_wait3A_245 : memref<1x400x32xf32, #tpu.memory_space<vmem>> -> memref<400x32xf32, #tpu.memory_space<vmem>>
    tpu.wait_dma2 semaphore(%dma_wait3A_239 : memref<!tpu.dma_semaphore, #tpu.memory_space<semaphore_mem>>) src(%dma_wait3A_246 : memref<400x32xf32, #tpu.memory_space<vmem>>) dst(%dma_wait3A_242 : memref<400x32xf32, #tpu.memory_space<hbm>>)
    %dma_wait3A_247 = arith.constant 1 : i32
    %dma_wait3A_248 = arith.constant 1 : i32
    %dma_wait3A_249 = arith.constant 0 : i32
    %dma_wait3A_250 = arith.constant 0 : i32
    %dma_wait3A_251 = tpu.memref_slice %arg17[%dma_wait3A_247, %dma_wait3A_249, %dma_wait3A_250] : memref<2x400x32xf32, #tpu.memory_space<vmem>> -> memref<1x400x32xf32, #tpu.memory_space<vmem>>
    %dma_wait3A_252 = tpu.memref_squeeze %dma_wait3A_251 : memref<1x400x32xf32, #tpu.memory_space<vmem>> -> memref<400x32xf32, #tpu.memory_space<vmem>>
    %dma_wait3A_253 = arith.constant 0 : i32
    %dma_wait3A_254 = arith.constant 96 : i32
    %dma_wait3A_255 = tpu.memref_slice %arg8[%dma_wait3A_253, %dma_wait3A_254] : memref<819200x128xf32, #tpu.memory_space<hbm>> -> memref<400x32xf32, #tpu.memory_space<hbm>>
    %dma_wait3A_256 = tpu.memref_slice %arg20[%dma_wait3A_248] : memref<2x!tpu.dma_semaphore, #tpu.memory_space<semaphore_mem>> -> memref<1x!tpu.dma_semaphore, #tpu.memory_space<semaphore_mem>>
    %dma_wait3A_257 = tpu.memref_squeeze %dma_wait3A_256 : memref<1x!tpu.dma_semaphore, #tpu.memory_space<semaphore_mem>> -> memref<!tpu.dma_semaphore, #tpu.memory_space<semaphore_mem>>
    %dma_wait3A_258 = arith.constant 0 : i32
    %dma_wait3A_259 = arith.constant 96 : i32
    %dma_wait3A_260 = tpu.memref_slice %arg8[%dma_wait3A_258, %dma_wait3A_259] : memref<819200x128xf32, #tpu.memory_space<hbm>> -> memref<400x32xf32, #tpu.memory_space<hbm>>
    %dma_wait3A_261 = arith.constant 0 : i32
    %dma_wait3A_262 = arith.constant 0 : i32
    %dma_wait3A_263 = tpu.memref_slice %arg17[%dma_wait3A_247, %dma_wait3A_261, %dma_wait3A_262] : memref<2x400x32xf32, #tpu.memory_space<vmem>> -> memref<1x400x32xf32, #tpu.memory_space<vmem>>
    %dma_wait3A_264 = tpu.memref_squeeze %dma_wait3A_263 : memref<1x400x32xf32, #tpu.memory_space<vmem>> -> memref<400x32xf32, #tpu.memory_space<vmem>>
    tpu.wait_dma2 semaphore(%dma_wait3A_257 : memref<!tpu.dma_semaphore, #tpu.memory_space<semaphore_mem>>) src(%dma_wait3A_264 : memref<400x32xf32, #tpu.memory_space<vmem>>) dst(%dma_wait3A_260 : memref<400x32xf32, #tpu.memory_space<hbm>>)
    %dma_wait3A_265 = arith.constant 0 : i32
    %dma_wait3A_266 = arith.constant 0 : i32
    %dma_wait3A_267 = arith.constant 0 : i32
    %dma_wait3A_268 = arith.constant 0 : i32
    %dma_wait3A_269 = tpu.memref_slice %arg12[%dma_wait3A_266, %dma_wait3A_268] : memref<2x400xi32, #tpu.memory_space<vmem>> -> memref<1x400xi32, #tpu.memory_space<vmem>>
    %dma_wait3A_270 = tpu.memref_squeeze %dma_wait3A_269 : memref<1x400xi32, #tpu.memory_space<vmem>> -> memref<400xi32, #tpu.memory_space<vmem>>
    %dma_wait3A_271 = arith.constant 0 : i32
    %dma_wait3A_272 = tpu.memref_slice %arg2[%dma_wait3A_265, %dma_wait3A_271] : memref<2048x400xi32, #tpu.memory_space<hbm>> -> memref<1x400xi32, #tpu.memory_space<hbm>>
    %dma_wait3A_273 = tpu.memref_squeeze %dma_wait3A_272 : memref<1x400xi32, #tpu.memory_space<hbm>> -> memref<400xi32, #tpu.memory_space<hbm>>
    %dma_wait3A_274 = tpu.memref_slice %arg18[%dma_wait3A_267] : memref<2x!tpu.dma_semaphore, #tpu.memory_space<semaphore_mem>> -> memref<1x!tpu.dma_semaphore, #tpu.memory_space<semaphore_mem>>
    %dma_wait3A_275 = tpu.memref_squeeze %dma_wait3A_274 : memref<1x!tpu.dma_semaphore, #tpu.memory_space<semaphore_mem>> -> memref<!tpu.dma_semaphore, #tpu.memory_space<semaphore_mem>>
    %dma_wait3A_276 = arith.constant 0 : i32
    %dma_wait3A_277 = tpu.memref_slice %arg12[%dma_wait3A_266, %dma_wait3A_276] : memref<2x400xi32, #tpu.memory_space<vmem>> -> memref<1x400xi32, #tpu.memory_space<vmem>>
    %dma_wait3A_278 = tpu.memref_squeeze %dma_wait3A_277 : memref<1x400xi32, #tpu.memory_space<vmem>> -> memref<400xi32, #tpu.memory_space<vmem>>
    %dma_wait3A_279 = arith.constant 0 : i32
    %dma_wait3A_280 = tpu.memref_slice %arg2[%dma_wait3A_265, %dma_wait3A_279] : memref<2048x400xi32, #tpu.memory_space<hbm>> -> memref<1x400xi32, #tpu.memory_space<hbm>>
    %dma_wait3A_281 = tpu.memref_squeeze %dma_wait3A_280 : memref<1x400xi32, #tpu.memory_space<hbm>> -> memref<400xi32, #tpu.memory_space<hbm>>
    tpu.wait_dma2 semaphore(%dma_wait3A_275 : memref<!tpu.dma_semaphore, #tpu.memory_space<semaphore_mem>>) src(%dma_wait3A_281 : memref<400xi32, #tpu.memory_space<hbm>>) dst(%dma_wait3A_278 : memref<400xi32, #tpu.memory_space<vmem>>)
    %dma_wait3A_282 = arith.constant 0 : i32
    %dma_wait3A_283 = arith.constant 0 : i32
    %dma_wait3A_284 = arith.constant 0 : i32
    %dma_wait3A_285 = arith.constant 0 : i32
    %dma_wait3A_286 = tpu.memref_slice %arg13[%dma_wait3A_283, %dma_wait3A_285] : memref<2x400xi32, #tpu.memory_space<vmem>> -> memref<1x400xi32, #tpu.memory_space<vmem>>
    %dma_wait3A_287 = tpu.memref_squeeze %dma_wait3A_286 : memref<1x400xi32, #tpu.memory_space<vmem>> -> memref<400xi32, #tpu.memory_space<vmem>>
    %dma_wait3A_288 = arith.constant 0 : i32
    %dma_wait3A_289 = tpu.memref_slice %arg3[%dma_wait3A_282, %dma_wait3A_288] : memref<2048x400xi32, #tpu.memory_space<hbm>> -> memref<1x400xi32, #tpu.memory_space<hbm>>
    %dma_wait3A_290 = tpu.memref_squeeze %dma_wait3A_289 : memref<1x400xi32, #tpu.memory_space<hbm>> -> memref<400xi32, #tpu.memory_space<hbm>>
    %dma_wait3A_291 = tpu.memref_slice %arg18[%dma_wait3A_284] : memref<2x!tpu.dma_semaphore, #tpu.memory_space<semaphore_mem>> -> memref<1x!tpu.dma_semaphore, #tpu.memory_space<semaphore_mem>>
    %dma_wait3A_292 = tpu.memref_squeeze %dma_wait3A_291 : memref<1x!tpu.dma_semaphore, #tpu.memory_space<semaphore_mem>> -> memref<!tpu.dma_semaphore, #tpu.memory_space<semaphore_mem>>
    %dma_wait3A_293 = arith.constant 0 : i32
    %dma_wait3A_294 = tpu.memref_slice %arg13[%dma_wait3A_283, %dma_wait3A_293] : memref<2x400xi32, #tpu.memory_space<vmem>> -> memref<1x400xi32, #tpu.memory_space<vmem>>
    %dma_wait3A_295 = tpu.memref_squeeze %dma_wait3A_294 : memref<1x400xi32, #tpu.memory_space<vmem>> -> memref<400xi32, #tpu.memory_space<vmem>>
    %dma_wait3A_296 = arith.constant 0 : i32
    %dma_wait3A_297 = tpu.memref_slice %arg3[%dma_wait3A_282, %dma_wait3A_296] : memref<2048x400xi32, #tpu.memory_space<hbm>> -> memref<1x400xi32, #tpu.memory_space<hbm>>
    %dma_wait3A_298 = tpu.memref_squeeze %dma_wait3A_297 : memref<1x400xi32, #tpu.memory_space<hbm>> -> memref<400xi32, #tpu.memory_space<hbm>>
    tpu.wait_dma2 semaphore(%dma_wait3A_292 : memref<!tpu.dma_semaphore, #tpu.memory_space<semaphore_mem>>) src(%dma_wait3A_298 : memref<400xi32, #tpu.memory_space<hbm>>) dst(%dma_wait3A_295 : memref<400xi32, #tpu.memory_space<vmem>>)
    %dma_wait3A_299 = arith.constant 0 : i32
    %dma_wait3A_300 = arith.constant 0 : i32
    %dma_wait3A_301 = arith.constant 0 : i32
    %dma_wait3A_302 = arith.constant 0 : i32
    %dma_wait3A_303 = tpu.memref_slice %arg14[%dma_wait3A_300, %dma_wait3A_302] : memref<2x400xi32, #tpu.memory_space<vmem>> -> memref<1x400xi32, #tpu.memory_space<vmem>>
    %dma_wait3A_304 = tpu.memref_squeeze %dma_wait3A_303 : memref<1x400xi32, #tpu.memory_space<vmem>> -> memref<400xi32, #tpu.memory_space<vmem>>
    %dma_wait3A_305 = arith.constant 0 : i32
    %dma_wait3A_306 = tpu.memref_slice %arg4[%dma_wait3A_299, %dma_wait3A_305] : memref<2048x400xi32, #tpu.memory_space<hbm>> -> memref<1x400xi32, #tpu.memory_space<hbm>>
    %dma_wait3A_307 = tpu.memref_squeeze %dma_wait3A_306 : memref<1x400xi32, #tpu.memory_space<hbm>> -> memref<400xi32, #tpu.memory_space<hbm>>
    %dma_wait3A_308 = tpu.memref_slice %arg18[%dma_wait3A_301] : memref<2x!tpu.dma_semaphore, #tpu.memory_space<semaphore_mem>> -> memref<1x!tpu.dma_semaphore, #tpu.memory_space<semaphore_mem>>
    %dma_wait3A_309 = tpu.memref_squeeze %dma_wait3A_308 : memref<1x!tpu.dma_semaphore, #tpu.memory_space<semaphore_mem>> -> memref<!tpu.dma_semaphore, #tpu.memory_space<semaphore_mem>>
    %dma_wait3A_310 = arith.constant 0 : i32
    %dma_wait3A_311 = tpu.memref_slice %arg14[%dma_wait3A_300, %dma_wait3A_310] : memref<2x400xi32, #tpu.memory_space<vmem>> -> memref<1x400xi32, #tpu.memory_space<vmem>>
    %dma_wait3A_312 = tpu.memref_squeeze %dma_wait3A_311 : memref<1x400xi32, #tpu.memory_space<vmem>> -> memref<400xi32, #tpu.memory_space<vmem>>
    %dma_wait3A_313 = arith.constant 0 : i32
    %dma_wait3A_314 = tpu.memref_slice %arg4[%dma_wait3A_299, %dma_wait3A_313] : memref<2048x400xi32, #tpu.memory_space<hbm>> -> memref<1x400xi32, #tpu.memory_space<hbm>>
    %dma_wait3A_315 = tpu.memref_squeeze %dma_wait3A_314 : memref<1x400xi32, #tpu.memory_space<hbm>> -> memref<400xi32, #tpu.memory_space<hbm>>
    tpu.wait_dma2 semaphore(%dma_wait3A_309 : memref<!tpu.dma_semaphore, #tpu.memory_space<semaphore_mem>>) src(%dma_wait3A_315 : memref<400xi32, #tpu.memory_space<hbm>>) dst(%dma_wait3A_312 : memref<400xi32, #tpu.memory_space<vmem>>)
    return
  }
}

</mosaic_0001>

<sc_bundles>
// kernel: kernel.3.cloned.1.call-start
scs
__scs_entry_jumppad:
0x0: {  	(pc) =	sbr.rel $0x88, $3  }
0x1: {  	(tag) =	ssettag $0x0;
	lr =	simm.s32 $0x1  }
0x2: {  	[smem:$0x3F9B] =	sst lr;
	_ =	strace $0xD0000000  }
0x3: {  	_ = 	snop  }
0x4: {  	_ = 	snop  }
0x5: {  	_ = 	snop  }
0x6: {  	_ = 	snop  }
0x7: {  	_ = 	snop  }
__scs_overlays_trampoline_lowered:
0x8: {  	[smem:$0x3FAA] =	sst s0  }
0x9: {  	[smem:$0x3FAB] =	sst s1  }
0xa: {  	[smem:$0x3FAC] =	sst s2  }
0xb: {  	[smem:$0x3FAD] =	sst s3  }
0xc: {  	[smem:$0x3FAE] =	sst s4  }
0xd: {  	[smem:$0x3FAF] =	sst s5  }
0xe: {  	[smem:$0x3FB0] =	sst s6  }
0xf: {  	[smem:$0x3FB1] =	sst s7  }
0x10: {  	[smem:$0x3FB2] =	sst s8  }
0x11: {  	[smem:$0x3FB3] =	sst s9;
	s0 =	simm.s32 @!p0 $0x0  }
0x12: {  	s1 =	sld [smem:$0x3F99];
	s0 =	simm.s32 @p0 $0x1  }
0x13: {  	[smem:$0x3FB4] =	sst s0;
	s0 =	simm.s32 @!p1 $0x0  }
0x14: {  	s2 =	sld [smem:$0x3F98];
	s0 =	simm.s32 @p1 $0x1  }
0x15: {  	[smem:$0x3FB5] =	sst s0;
	s0 =	simm.s32 @!p2 $0x0  }
0x16: {  	s3 =	sld [smem:$0x3FDB];
	s0 =	simm.s32 @p2 $0x1  }
0x17: {  	s4 =	simm.s32 $0x1BF5;
	[smem:$0x3FB7] =	sst s0  }
0x18: {  	s0 =	sld [smem:$0x3F9A];
	_ =	swait.ge [sflag:s4], $0x0  }
0x19: {  	s7 =	sld [smem:$0x3F9B]  }
0x1a: {  	s8 =	sadd.s32 $0xFFFFE003, lr  }
0x1b: {  	s9 =	sadd.s32 $0xFFFFFEF7, lr;
	s5 =	simm.s32 $0xFFFFFFFF;
	p2 =	slt.u32 s8, $0xFFFFF086  }
0x1c: {  	p1 =	slt.u32 s9, $0xF7A;
	s5 =	simm.s32 @!p2 $0x0  }
0x1d: {  	s5 =	simm.s32 @p1 $0x1;
	p0 =	seq.s32 s7, s2  }
0x1e: {  	s7 =	smul.u32 @!p0 $0xF7A, s2;
	p2 =	seq.s32 @!p0 s5, $0x0  }
0x1f: {  	s9 =	smul.u32 $0xF7A, s1;
	s8 =	simm.s32 @!p0 $0x1BF5;
	p2 =	por !p2, p0  }
0x20: {  	[sflag:s8] =	ssyncset.s32 @!p0 $0xFFFFF086;
	s6 =	sadd.s32 @!p0 s3, s7;
	s7 =	simm.s32 @!p0 $0x108  }
0x21: {  	s3 =	sadd.s32 s3, s9;
	s6 =	sadd.s32 @!p0 $0x88, s6;
	s7 =	simm.s32 @p2 $0x1082  }
0x22: {  	[simem:s7], [sflag:s8] =	dma.local @!p0 [hbm:s6], $0xF7A  }
0x23: {  	s9 =	sor.u32 $0xD0000000, s2;
	s6 =	simm.s32 $0x108;
	_ =	swait.ge @!p0 [sflag:s8], $0x0  }
0x24: {  	s3 =	sadd.s32 $0x88, s3;
	s6 =	simm.s32 @!p1 $0x1082;
	[sflag:s4] =	ssyncset.s32 $0xFFFFF086  }
0x25: {  	[simem:s6], [sflag:s4] =	dma.local [hbm:s3], $0xF7A  }
0x26: {  	[smem:$0x3F9B] =	sst s1;
	(tag) =	ssettag s2;
	_ =	strace s9  }
0x27: {  	s1 =	sld [smem:$0x3FAB]  }
0x28: {  	s2 =	sld [smem:$0x3FAC]  }
0x29: {  	s4 =	sld [smem:$0x3FAE]  }
0x2a: {  	p0 =	seq.s32 s5, $0x0;
	s5 =	sld [smem:$0x3FAF]  }
0x2b: {  	s6 =	sld [smem:$0x3FB0]  }
0x2c: {  	s7 =	sld [smem:$0x3FB1]  }
0x2d: {  	s3 =	simm.s32 $0x108;
	s8 =	sld [smem:$0x3FB2]  }
0x2e: {  	s3 =	simm.s32 @!p0 $0x1082;
	s9 =	sld [smem:$0x3FB3]  }
0x2f: {  	lr =	sadd.s32 s0, s3;
	s0 =	sld [smem:$0x3FAA]  }
0x30: {  	s3 =	sld [smem:$0x3FAD]  }
0x31: {  	[smem:$0x3FB6] =	sst s10  }
0x32: {  	s10 =	sld [smem:$0x3FB4];
	_ =	sdelay $0x3  }
0x33: {  	p0 =	seq.s32 s10, $0x1;
	s10 =	sld [smem:$0x3FB6];
	_ =	sdelay $0x3  }
0x34: {  	[smem:$0x3FB6] =	sst s10  }
0x35: {  	s10 =	sld [smem:$0x3FB5];
	_ =	sdelay $0x3  }
0x36: {  	p1 =	seq.s32 s10, $0x1;
	s10 =	sld [smem:$0x3FB6];
	_ =	sdelay $0x3  }
0x37: {  	[smem:$0x3FB6] =	sst s10  }
0x38: {  	s10 =	sld [smem:$0x3FB7]  }
0x39: {  	_ = 	snop;
	(pc) =	sbr.ind lr, $3  }
0x3a: {  	_ = 	snop  }
0x3b: {  	_ = 	snop  }
0x3c: {  	p2 =	seq.s32 s10, $0x1;
	s10 =	sld [smem:$0x3FB6]  }
0x3d: {  	_ =	shalt  }
0x3e: {  	_ =	shalt  }
0x3f: {  	_ =	shalt  }
0x40: {  	_ =	shalt  }
0x41: {  	_ =	shalt  }
0x42: {  	_ =	shalt  }
0x43: {  	_ =	shalt  }
0x44: {  	_ =	shalt  }
0x45: {  	_ =	shalt  }
0x46: {  	_ =	shalt  }
0x47: {  	_ =	shalt  }
0x48: {  	_ =	shalt  }
0x49: {  	_ =	shalt  }
0x4a: {  	_ =	shalt  }
0x4b: {  	_ =	shalt  }
0x4c: {  	_ =	shalt  }
0x4d: {  	_ =	shalt  }
0x4e: {  	_ =	shalt  }
0x4f: {  	_ =	shalt  }
0x50: {  	_ =	shalt  }
0x51: {  	_ =	shalt  }
0x52: {  	_ =	shalt  }
0x53: {  	_ =	shalt  }
0x54: {  	_ =	shalt  }
0x55: {  	_ =	shalt  }
0x56: {  	_ =	shalt  }
0x57: {  	_ =	shalt  }
0x58: {  	_ =	shalt  }
0x59: {  	_ =	shalt  }
0x5a: {  	_ =	shalt  }
0x5b: {  	_ =	shalt  }
0x5c: {  	_ =	shalt  }
0x5d: {  	_ =	shalt  }
0x5e: {  	_ =	shalt  }
0x5f: {  	_ =	shalt  }
0x60: {  	_ =	shalt  }
0x61: {  	_ =	shalt  }
0x62: {  	_ =	shalt  }
0x63: {  	_ =	shalt  }
0x64: {  	_ =	shalt  }
0x65: {  	_ =	shalt  }
0x66: {  	_ =	shalt  }
0x67: {  	_ =	shalt  }
0x68: {  	_ =	shalt  }
0x69: {  	_ =	shalt  }
0x6a: {  	_ =	shalt  }
0x6b: {  	_ =	shalt  }
0x6c: {  	_ =	shalt  }
0x6d: {  	_ =	shalt  }
0x6e: {  	_ =	shalt  }
0x6f: {  	_ =	shalt  }
0x70: {  	_ =	shalt  }
0x71: {  	_ =	shalt  }
0x72: {  	_ =	shalt  }
0x73: {  	_ =	shalt  }
0x74: {  	_ =	shalt  }
0x75: {  	_ =	shalt  }
0x76: {  	_ =	shalt  }
0x77: {  	_ =	shalt  }
0x78: {  	_ =	shalt  }
0x79: {  	_ =	shalt  }
0x7a: {  	_ =	shalt  }
0x7b: {  	_ =	shalt  }
0x7c: {  	_ =	shalt  }
0x7d: {  	_ =	shalt  }
0x7e: {  	_ =	shalt  }
0x7f: {  	_ =	shalt  }
0x80: {  	_ =	shalt  }
0x81: {  	_ =	shalt  }
0x82: {  	_ =	shalt  }
0x83: {  	_ =	shalt  }
0x84: {  	_ =	shalt  }
0x85: {  	_ =	shalt  }
0x86: {  	_ =	shalt  }
0x87: {  	_ =	shalt  }
.Lfunc_end0:
.L_simem_size_0:
called_computation_lowered:
.L_overlay_start_0:
0x88: {  	s2 =	sld [smem:$0x3FD9]  }
0x89: {  	s3 =	sld [smem:$0x3FFE];
	_ =	sdelay $0x1  }
0x8a: {  	s1 =	srdreg.scid  }
0x8b: {  	s0 =	sand.u32 $0x1, s1  }
0x8c: {  	s17 =	sshll.u32 s0, $0xA;
	s2 =	sadd.s32 s3, s2  }
0x8d: {  	s2 =	sadd.s32 s2, s17  }
0x8e: {  	[smem:$0x3FC2] =	sst s2  }
0x8f: {  	_ = 	snop  }
0x90: {  	s2 =	sld [smem:$0x3FD0];
	(tm) =	ssettm $0x1  }
0x91: {  	s18 =	sld [smem:$0x3FFB];
	_ =	sdelay $0x3  }
0x92: {  	_ =	strace s18  }
0x93: {  	s3 =	sld [smem:$0x3FFC];
	_ =	sdelay $0x3  }
0x94: {  	_ =	strace s3  }
0x95: {  	s3 =	sld [smem:$0x3FFD];
	_ =	sdelay $0x3  }
0x96: {  	_ =	strace s3  }
0x97: {  	_ =	strace $0x8FFFFFFF  }
0x98: {  	s19 =	sld [smem:$0x3FDB];
	_ =	sdelay $0x1  }
0x99: {  	s4 =	simm.s32 $_scs_section_size  }
0x9a: {  	s5 =	simm.s32 $_size__tile_overlayer_lowered;
	s6 =	simm.s32 $_tile_overlayer_lowered  }
0x9b: {  	s22 =	simm.s32 $0x1BFF;
	s21 =	sshll.u32 s6, $0x1;
	s3 =	sadd.s32 s4, s19  }
0x9c: {  	s7 =	simm.s32 $0x0;
	s20 =	sshll.u32 s5, $0x1;
	s5 =	sadd.s32 s21, s3  }
0x9d: {  	[timem:s7], [sflag:s22] =	dma.local [hbm:s5], s20  }
0x9e: {  	_ =	swait.ge [sflag:s22], s20  }
0x9f: {  	s4 =	ssub.s32 $0x0, s20;
	[sflag:s22] =	ssyncset.done $0x0  }
0xa0: {  	[sflag:s22] =	ssyncadd.s32 s4;
	_ =	sdelay $0x1  }
0xa1: {  	s23 =	simm.s32 $0x1B8B  }
0xa2: {  	_ =	swait.ge [sflag:s23], $0x1  }
0xa3: {  	[sflag:s23] =	ssyncset.done $0x0  }
0xa4: {  	s25 =	simm.s32 $0x1B8E;
	s24 =	sld [smem:$0x3FFE];
	[sflag:s23] =	ssyncadd.s32 $0xFFFFFFFF  }
0xa5: {  	s26 =	simm.s32 $execute0_lowered;
	[smem:$0x3FD2] =	sst s25  }
0xa6: {  	s5 =	sshll.u32 s26, $0x1;
	_ =	strace $0x80000046;
	[dreg:$0x1] =	wrdreg $0xFFFFFFFF  }
0xa7: {  	s28 =	simm.s32 $_size_execute0_lowered;
	s3 =	sadd.s32 s3, s5;
	[dreg:$0x0] =	wrdreg $0x0  }
0xa8: {  	s5 =	sshll.u32 s28, $0x1;
	[dreg:$0x2] =	wrdreg s3  }
0xa9: {  	[dreg:$0x3] =	wrdreg s5  }
0xaa: {  	[dreg:$0x4] =	wrdreg $0xC0  }
0xab: {  	_ =	task [dreg:s7], $0x5FFFF  }
0xac: {  	[dreg:$0x1] =	wrdreg $0xFFFFFFFF  }
0xad: {  	[dreg:$0x0] =	wrdreg $0x60  }
0xae: {  	[dreg:$0x2] =	wrdreg s24  }
0xaf: {  	[dreg:$0x3] =	wrdreg s2  }
0xb0: {  	[dreg:$0x4] =	wrdreg $0x0  }
0xb1: {  	[dreg:$0x5] =	wrdreg $0x20000  }
0xb2: {  	[dreg:$0x6] =	wrdreg $0x30000  }
0xb3: {  	[dreg:$0x7] =	wrdreg $0x9  }
0xb4: {  	_ =	task.clear_ibuf [dreg:s7], $0x8FFFF;
	_ =	strace $0x90000046  }
0xb5: {  	s29 =	simm.s32 $0x9;
	_ =	strace $0x80000048  }
0xb6: {  	_ =	swait.ge [sflag:s29], $0x1  }
0xb7: {  	[sflag:s29] =	ssyncadd.s32 $0xFFFFFFFF  }
0xb8: {  	_ =	strace $0x90000048  }
0xb9: {  	_ =	sfence  }
0xba: {  	s30 =	sld [smem:$0x0];
	_ =	sdelay $0x2  }
0xbb: {  	s31 =	sshll.u32 s1, $0xD;
	s1 =	sshrl.u32 s1, $0x2  }
0xbc: {  	s3 =	sand.u32 $0x4000, s31;
	s1 =	sadd.s32 s1, s30  }
0xbd: {  	s0 =	sor.u32 s3, s0;
	s1 =	sshll.u32 s1, $0x11  }
0xbe: {  	s0 =	sor.u32 s1, s0  }
0xbf: {  	s0 =	sadd.s32 $0x8F2B, s0  }
0xc0: {  	[sflag:s0] =	ssyncadd.remote.s32 $0x1  }
0xc1: {  	_ =	sfence.sel $0xFFFF  }
0xc2: {  	[dreg:$0x0] =	wrdreg $0xFFFFFFFF;
	(pc) =	sbr.abs _section_cstart, $3  }
0xc3: {  	[dreg:$0x1] =	wrdreg $0xFFFFFFFF  }
0xc4: {  	_ =	task.clear_ibuf [dreg:s7], $0x2FFFF;
	_ =	strace $0x9FFFFFFF  }
0xc5: {  	(tm) =	ssettm $0x7FFFFFFF  }
tec
execute0_lowered:
.L_overlay_start_1:
0x0: {  	(tag) =	ssettag $0x1  }
0x1: {  	s0 =	rddreg [dreg:$0x0]  }
0x2: {  	s1 =	rddreg [dreg:$0x1]  }
0x3: {  	s2 =	rddreg [dreg:$0x2]  }
0x4: {  	s3 =	rddreg [dreg:$0x3]  }
0x5: {  	s4 =	rddreg [dreg:$0x4];
	s5 =	simm.s32 $0x0  }
0x6: {  	s6 =	srdreg.scid;
	s10 =	stileid.u32;
	s31 =	simm.s32 $0x3A40  }
0x7: {  	s28 =	simm.s32 $0x1;
	s29 =	simm.s32 $0x2;
	s30 =	simm.s32 $0x190  }
0x8: {  	[smem:$0x7FF] =	sst s5;
	s11 =	sand.u32 $0x1, s6;
	s8 =	sshll.u32 s10, $0x7  }
0x9: {  	s6 =	sadd.s32 $0x7400, s0;
	s7 =	sadd.s32 $0x20400, s0;
	s14 =	sadd.s32 $0x1400, s0  }
0xa: {  	s24 =	sadd.s32 $0x5400, s0;
	_ =	strace $0x80000047;
	s9 =	sshll.u32 s11, $0x6  }
0xb: {  	s12 =	ssub.s32 $0x2, s11;
	[dreg:$0x10] =	wrdreg s14;
	s8 =	sor.u32 s9, s8  }
0xc: {  	s9 =	sadd.s32 $0x39400, s0;
	s25 =	sshrl.u32 s12, $0x1;
	s0 =	sadd.s32 $0xC00, s0  }
0xd: {  	s13 =	smul.u32 $0x32, s8;
	[dreg:$0x12] =	wrdreg s0;
	s0 =	ssub.s32 s12, s25  }
0xe: {  	s20 =	smul.u32 $0xC8000, s10;
	[dreg:$0x11] =	wrdreg s24;
	s0 =	smax.u32 s0, $0x1  }
0xf: {  	p0 =	sne.s32 s10, $0x0;
	s16 =	sadd.s32 s6, s13;
	[dreg:$0x19] =	wrdreg s0  }
0x10: {  	s22 =	smul.u32 $0x64000, s11;
	s17 =	sadd.s32 s7, s13;
	[dreg:$0x13] =	wrdreg s16  }
0x11: {  	s26 =	sor.u32 $0x32, s13;
	s13 =	sadd.s32 s9, s13;
	[dreg:$0x14] =	wrdreg s17  }
0x12: {  	s15 =	smul.u32 $0xC800, s8;
	s18 =	sadd.s32 s6, s26;
	[dreg:$0x15] =	wrdreg s13  }
0x13: {  	s24 =	smul.u32 $0x640000, s10;
	s19 =	sadd.s32 s7, s26;
	[dreg:$0x6] =	wrdreg s18  }
0x14: {  	s21 =	sshrl.u32 s15, $0x3;
	s12 =	sadd.s32 s9, s26;
	[dreg:$0x7] =	wrdreg s19  }
0x15: {  	s13 =	sadd.s32 s20, s1;
	s20 =	simm.s32 $0x3590;
	[dreg:$0x8] =	wrdreg s12  }
0x16: {  	s23 =	sadd.s32 s1, s21;
	s21 =	simm.s32 $0x38B0;
	[dreg:$0xa] =	wrdreg s20  }
0x17: {  	s14 =	simm.s32 $0x20;
	s16 =	sadd.s32 $0x62700, s23;
	[dreg:$0xb] =	wrdreg s21  }
0x18: {  	s25 =	smul.u32 $0x320000, s11;
	s17 =	sadd.s32 $0x62708, s23;
	[dreg:$0x16] =	wrdreg s16  }
0x19: {  	s11 =	smul.u32 $0xC80, s11;
	s12 =	sadd.s32 $0x6270C, s23;
	[dreg:$0x17] =	wrdreg s17  }
0x1a: {  	s26 =	smul.u32 $0x1900, s10;
	s13 =	sadd.s32 s22, s13;
	[dreg:$0x18] =	wrdreg s12  }
0x1b: {  	s10 =	simm.s32 $0x0;
	s22 =	simm.s32 $0x3BD0;
	[dreg:$0x9] =	wrdreg s13  }
0x1c: {  	s16 =	sadd.s32 s25, s24;
	s17 =	sadd.s32 s26, s9;
	s18 =	sadd.s32 s26, s7  }
0x1d: {  	s19 =	sadd.s32 s26, s6;
	[dreg:$0xc] =	wrdreg s22;
	s24 =	simm.s32 $0x3D60  }
0x1e: {  	s25 =	simm.s32 $0x10560;
	s26 =	simm.s32 $0x16960;
	[dreg:$0xd] =	wrdreg s24  }
0x1f: {  	s12 =	sadd.s32 s11, s17;
	s13 =	sadd.s32 s11, s18;
	[dreg:$0xe] =	wrdreg s25  }
0x20: {  	s0 =	sadd.s32 s11, s19;
	s11 =	sadd.s32 $0xFFFF3800, s16;
	[dreg:$0xf] =	wrdreg s26  }
0x21: {  	s25 =	simm.s32 $0x3400;
	[dreg:$0x1a] =	wrdreg s11;
	s12 =	sadd.s32 $0x32, s12  }
0x22: {  	s26 =	simm.s32 $0x3720;
	s23 =	sadd.s32 $0x32, s13;
	[dreg:$0x1b] =	wrdreg s12  }
0x23: {  	s0 =	sadd.s32 $0x32, s0;
	s11 =	simm.s32 $0x3;
	[dreg:$0x1c] =	wrdreg s23  }
0x24: {  	s13 =	simm.s32 $0x80;
	[dreg:$0x1d] =	wrdreg s0;
	s12 =	simm.s32 $0x40  }
.LBB2_1:
0x25: {  	[dreg:$0x1e] =	wrdreg s10  }
0x26: {  	s15 =	sshrl.u32 @!p0 s2, $0x3;
	s16 =	simm.s32 @!p0 $0x1C07;
	s0 =	rddreg [dreg:$0x10]  }
0x27: {  	[spmem:s15], [sflag:s16] =	dma.local @!p0 [hbm:s0], $0x4000  }
0x28: {  	s15 =	simm.s32 @!p0 $0x7  }
0x29: {  	_ =	swait.ge @!p0 [sflag:s15], $0x4000  }
0x2a: {  	[sflag:s15] =	ssyncset.done @!p0 $0x0  }
0x2b: {  	s17 =	sshrl.u32 @!p0 s3, $0x3;
	s0 =	rddreg [dreg:$0x11];
	[sflag:s15] =	ssyncadd.s32 @!p0 $0xFFFFC000  }
0x2c: {  	[spmem:s17], [sflag:s16] =	dma.local @!p0 [hbm:s0], $0x2000  }
0x2d: {  	_ =	swait.ge @!p0 [sflag:s15], $0x2000  }
0x2e: {  	[sflag:s15] =	ssyncset.done @!p0 $0x0  }
0x2f: {  	s17 =	sshrl.u32 @!p0 s4, $0x3;
	s0 =	rddreg [dreg:$0x12];
	[sflag:s15] =	ssyncadd.s32 @!p0 $0xFFFFE000  }
0x30: {  	[spmem:s17], [sflag:s16] =	dma.local @!p0 [hbm:s0], $0x800  }
0x31: {  	_ =	swait.ge @!p0 [sflag:s15], $0x800  }
0x32: {  	[sflag:s15] =	ssyncset.done @!p0 $0x0  }
0x33: {  	[sflag:s15] =	ssyncadd.s32 @!p0 $0xFFFFF800  }
0x34: {  	[bflag:$0x0] =	sbarrier.arrive $0xFFFF  }
0x35: {  	s15 =	rddreg [dreg:$0x13]  }
0x36: {  	[tilespmem:s25], [sflag:$0x1] =	stream.linear.gather [hbm4b:s15+s5], $0x190, $0x38;
	[tilespmem:$0x1CD60] =	vst v63  }
0x37: {  	s16 =	rddreg [dreg:$0x14]  }
0x38: {  	[tilespmem:s26], [sflag:$0x1] =	stream.linear.gather [hbm4b:s16+s5], $0x190, $0x38;
	[tilespmem:$0x1CD60] =	vst v63  }
0x39: {  	s17 =	rddreg [dreg:$0x15]  }
0x3a: {  	[tilespmem:s31], [sflag:$0x1] =	stream.linear.gather [hbm4b:s17+s5], $0x190, $0x38;
	[tilespmem:$0x1CD60] =	vst v63  }
0x3b: {  	_ =	swait.ge [sflag:s28], $0x190  }
0x3c: {  	[sflag:s28] =	ssyncset.done $0x0  }
0x3d: {  	[sflag:s28] =	ssyncadd.s32 $0xFFFFFE70  }
0x3e: {  	_ =	swait.ge [sflag:s28], $0x190  }
0x3f: {  	[sflag:s28] =	ssyncset.done $0x0  }
0x40: {  	[sflag:s28] =	ssyncadd.s32 $0xFFFFFE70  }
0x41: {  	p1 =	por $0x1, $0x1;
	_ =	swait.ge [sflag:s28], $0x190  }
0x42: {  	s15 =	simm.s32 @p1 $0x190;
	[sflag:s28] =	ssyncset.done $0x0  }
0x43: {  	s16 =	simm.s32 @p1 $0x3400;
	s17 =	simm.s32 @p1 $0x3D60;
	[sflag:s28] =	ssyncadd.s32 $0xFFFFFE70  }
0x44: {  	[tilespmem:s17], [sflag:$0x3] =	stream.indirect.gather @p1 [spmem:s2], $0x40, s16, s15, $0xb8;
	[tilespmem:$0x1CD60] =	vst v63  }
0x45: {  	s16 =	simm.s32 @p1 $0x3720;
	s17 =	simm.s32 @p1 $0x10560  }
0x46: {  	[tilespmem:s17], [sflag:$0x3] =	stream.indirect.gather @p1 [spmem:s3], $0x20, s16, s15, $0xb8;
	[tilespmem:$0x1CD60] =	vst v63  }
0x47: {  	s16 =	simm.s32 @p1 $0x3A40;
	s17 =	simm.s32 @p1 $0x16960  }
0x48: {  	[tilespmem:s17], [sflag:$0x3] =	stream.indirect.gather @p1 [spmem:s4], $0x20, s16, s15, $0xb8;
	[tilespmem:$0x1CD60] =	vst v63  }
0x49: {  	s18 =	rddreg [dreg:$0x6];
	s15 =	simm.s32 @p1 $0x0;
	s16 =	simm.s32 @p1 $0x3590  }
0x4a: {  	[tilespmem:s16], [sflag:$0x2] =	stream.linear.gather @p1 [hbm4b:s18+s15], $0x190, $0x38;
	[tilespmem:$0x1CD60] =	vst v63  }
0x4b: {  	s17 =	rddreg [dreg:$0x7];
	s18 =	simm.s32 @p1 $0x38B0  }
0x4c: {  	[tilespmem:s18], [sflag:$0x2] =	stream.linear.gather @p1 [hbm4b:s17+s15], $0x190, $0x38;
	[tilespmem:$0x1CD60] =	vst v63  }
0x4d: {  	s16 =	rddreg [dreg:$0x8];
	s17 =	simm.s32 @p1 $0x3BD0;
	s18 =	simm.s32 @!p1 $0x5  }
0x4e: {  	[tilespmem:s17], [sflag:$0x2] =	stream.linear.gather @p1 [hbm4b:s16+s15], $0x190, $0x38;
	[tilespmem:$0x1CD60] =	vst v63  }
0x4f: {  	_ =	swait.ge @!p1 [sflag:s18], $0x6400  }
0x50: {  	[sflag:s18] =	ssyncset.done @!p1 $0x0  }
0x51: {  	[sflag:s18] =	ssyncadd.s32 @!p1 $0xFFFF9C00  }
0x52: {  	_ =	swait.ge @!p1 [sflag:s18], $0x3200  }
0x53: {  	[sflag:s18] =	ssyncset.done @!p1 $0x0  }
0x54: {  	[sflag:s18] =	ssyncadd.s32 @!p1 $0xFFFFCE00  }
0x55: {  	_ =	swait.ge @!p1 [sflag:s18], $0x3200  }
0x56: {  	s15 =	simm.s32 @!p1 $0x3D60;
	[sflag:s18] =	ssyncset.done @!p1 $0x0  }
0x57: {  	s16 =	simm.s32 @!p1 $0x190;
	s17 =	simm.s32 @!p1 $0x3400;
	[sflag:s18] =	ssyncadd.s32 @!p1 $0xFFFFCE00  }
0x58: {  	[tilespmem:s15], [sflag:$0x3] =	stream.indirect.gather @!p1 [spmem:s2], $0x40, s17, s16, $0xb8;
	[tilespmem:$0x1CD60] =	vst v63  }
0x59: {  	s15 =	simm.s32 @!p1 $0x3720;
	s17 =	simm.s32 @!p1 $0x10560  }
0x5a: {  	[tilespmem:s17], [sflag:$0x3] =	stream.indirect.gather @!p1 [spmem:s3], $0x20, s15, s16, $0xb8;
	[tilespmem:$0x1CD60] =	vst v63  }
0x5b: {  	s18 =	simm.s32 @!p1 $0x4;
	s15 =	simm.s32 @!p1 $0x3A40;
	s17 =	simm.s32 @!p1 $0x16960  }
0x5c: {  	[tilespmem:s17], [sflag:$0x3] =	stream.indirect.gather @!p1 [spmem:s4], $0x20, s15, s16, $0xb8;
	[tilespmem:$0x1CD60] =	vst v63  }
0x5d: {  	_ =	swait.ge @!p1 [sflag:s18], $0x6400  }
0x5e: {  	[sflag:s18] =	ssyncset.done @!p1 $0x0  }
0x5f: {  	[sflag:s18] =	ssyncadd.s32 @!p1 $0xFFFF9C00  }
0x60: {  	_ =	swait.ge @!p1 [sflag:s18], $0x3200  }
0x61: {  	[sflag:s18] =	ssyncset.done @!p1 $0x0  }
0x62: {  	[sflag:s18] =	ssyncadd.s32 @!p1 $0xFFFFCE00  }
0x63: {  	_ =	swait.ge @!p1 [sflag:s18], $0x3200  }
0x64: {  	s0 =	rddreg [dreg:$0x1a]  }
0x65: {  	s19 =	simm.s32 @!p1 $0x3590;
	s20 =	simm.s32 @!p1 $0xA160;
	s23 =	rddreg [dreg:$0x1d]  }
0x66: {  	s17 =	simm.s32 @!p1 $0x0;
	[sflag:s18] =	ssyncset.done @!p1 $0x0;
	s21 =	rddreg [dreg:$0x1c]  }
0x67: {  	s10 =	rddreg [dreg:$0x1b];
	s16 =	sadd.s32 @!p1 $0x40, s0;
	[sflag:s18] =	ssyncadd.s32 @!p1 $0xFFFFCE00  }
0x68: {  	[tilespmem:s19], [sflag:$0x2] =	stream.linear.gather @!p1 [hbm4b:s23+s17], $0x190, $0x38;
	[tilespmem:$0x1CD60] =	vst v63  }
0x69: {  	s15 =	sshrl.u32 @!p1 s0, $0x3;
	s18 =	simm.s32 @!p1 $0x38B0;
	s16 =	sshrl.u32 @!p1 s16, $0x3  }
0x6a: {  	[tilespmem:s18], [sflag:$0x2] =	stream.linear.gather @!p1 [hbm4b:s21+s17], $0x190, $0x38;
	[tilespmem:$0x1CD60] =	vst v63  }
0x6b: {  	s15 =	sadd.s32 @!p1 s1, s15;
	s19 =	simm.s32 @!p1 $0x3BD0;
	s16 =	sadd.s32 @!p1 s1, s16  }
0x6c: {  	[tilespmem:s19], [sflag:$0x2] =	stream.linear.gather @!p1 [hbm4b:s10+s17], $0x190, $0x38;
	[tilespmem:$0x1CD60] =	vst v63  }
0x6d: {  	s18 =	sadd.s32 @!p1 $0x60, s0;
	s17 =	simm.s32 @!p1 $0x40;
	s19 =	simm.s32 @!p1 $0x80  }
0x6e: {  	[hbm4b:s15+s17] =	stream.strided.scatter @!p1 [tilespmem:s20], [sflag:$0x6], $0x6400, s19, s17, $0x38;
	[tilespmem:$0x1CD60] =	vst v63  }
0x6f: {  	s15 =	sshrl.u32 @!p1 s18, $0x3;
	s17 =	simm.s32 @!p1 $0x20;
	s18 =	simm.s32 @!p1 $0x13760  }
0x70: {  	[hbm4b:s16+s17] =	stream.strided.scatter @!p1 [tilespmem:s18], [sflag:$0x6], $0x3200, s19, s17, $0x38;
	[tilespmem:$0x1CD60] =	vst v63  }
0x71: {  	s15 =	sadd.s32 @!p1 s1, s15;
	s16 =	simm.s32 @!p1 $0x19B60  }
0x72: {  	[hbm4b:s15+s17] =	stream.strided.scatter @!p1 [tilespmem:s16], [sflag:$0x6], $0x3200, s19, s17, $0x38;
	[tilespmem:$0x1CD60] =	vst v63  }
0x73: {  	_ =	swait.ge [sflag:s29], $0x190  }
0x74: {  	[sflag:s29] =	ssyncset.done $0x0  }
0x75: {  	[sflag:s29] =	ssyncadd.s32 $0xFFFFFE70  }
0x76: {  	_ =	swait.ge [sflag:s29], $0x190  }
0x77: {  	[sflag:s29] =	ssyncset.done $0x0  }
0x78: {  	[sflag:s29] =	ssyncadd.s32 $0xFFFFFE70  }
0x79: {  	_ =	swait.ge [sflag:s29], $0x190  }
0x7a: {  	[sflag:s29] =	ssyncset.done $0x0  }
0x7b: {  	s15 =	simm.s32 @!p1 $0x6;
	[sflag:s29] =	ssyncadd.s32 $0xFFFFFE70  }
0x7c: {  	_ =	swait.ge @!p1 [sflag:s15], $0x6400  }
0x7d: {  	[sflag:s15] =	ssyncset.done @!p1 $0x0  }
0x7e: {  	[sflag:s15] =	ssyncadd.s32 @!p1 $0xFFFF9C00  }
0x7f: {  	_ =	swait.ge @!p1 [sflag:s15], $0x3200  }
0x80: {  	[sflag:s15] =	ssyncset.done @!p1 $0x0  }
0x81: {  	[sflag:s15] =	ssyncadd.s32 @!p1 $0xFFFFCE00  }
0x82: {  	_ =	swait.ge @!p1 [sflag:s15], $0x3200  }
0x83: {  	[sflag:s15] =	ssyncset.done @!p1 $0x0  }
0x84: {  	s20 =	simm.s32 $0xA160;
	s18 =	rddreg [dreg:$0xa];
	[sflag:s15] =	ssyncadd.s32 @!p1 $0xFFFFCE00  }
0x85: {  	[tilespmem:s20], [sflag:$0x4] =	stream.indirect.gather [spmem:s2], $0x40, s18, s30, $0xb8;
	[tilespmem:$0x1CD60] =	vst v63  }
0x86: {  	s24 =	simm.s32 $0x13760;
	s19 =	rddreg [dreg:$0xb]  }
0x87: {  	[tilespmem:s24], [sflag:$0x4] =	stream.indirect.gather [spmem:s3], $0x20, s19, s30, $0xb8;
	[tilespmem:$0x1CD60] =	vst v63  }
0x88: {  	s17 =	simm.s32 $0x19B60;
	s22 =	rddreg [dreg:$0xc]  }
0x89: {  	[tilespmem:s17], [sflag:$0x4] =	stream.indirect.gather [spmem:s4], $0x20, s22, s30, $0xb8;
	[tilespmem:$0x1CD60] =	vst v63  }
0x8a: {  	_ =	swait.ge [sflag:s11], $0x6400  }
0x8b: {  	[sflag:s11] =	ssyncset.done $0x0  }
0x8c: {  	[sflag:s11] =	ssyncadd.s32 $0xFFFF9C00  }
0x8d: {  	_ =	swait.ge [sflag:s11], $0x3200  }
0x8e: {  	s18 =	sand.u32 $0x3E, s29;
	[sflag:s11] =	ssyncset.done $0x0  }
0x8f: {  	s15 =	sor.u32 s8, s18;
	[sflag:s11] =	ssyncadd.s32 $0xFFFFCE00  }
0x90: {  	s15 =	smul.u32 $0x32, s15;
	_ =	swait.ge [sflag:s11], $0x3200  }
0x91: {  	s23 =	sadd.s32 $0x64, s23;
	s21 =	sadd.s32 $0x64, s21;
	[sflag:s11] =	ssyncset.done $0x0  }
0x92: {  	s19 =	sadd.s32 s6, s15;
	s20 =	rddreg [dreg:$0x9];
	[sflag:s11] =	ssyncadd.s32 $0xFFFFCE00  }
0x93: {  	[tilespmem:s25], [sflag:$0x1] =	stream.linear.gather [hbm4b:s19+s5], $0x190, $0x38;
	[tilespmem:$0x1CD60] =	vst v63  }
0x94: {  	s22 =	sadd.s32 s7, s15;
	s15 =	sadd.s32 s9, s15;
	s24 =	rddreg [dreg:$0xd]  }
0x95: {  	[tilespmem:s26], [sflag:$0x1] =	stream.linear.gather [hbm4b:s22+s5], $0x190, $0x38;
	[tilespmem:$0x1CD60] =	vst v63  }
0x96: {  	s17 =	rddreg [dreg:$0xf];
	s25 =	sadd.s32 $0x0, s20;
	s19 =	simm.s32 $0x3200  }
0x97: {  	[tilespmem:s31], [sflag:$0x1] =	stream.linear.gather [hbm4b:s15+s5], $0x190, $0x38;
	[tilespmem:$0x1CD60] =	vst v63  }
0x98: {  	s20 =	smov.u32 s0;
	s18 =	sadd.s32 $0xC, s25;
	s26 =	rddreg [dreg:$0xe]  }
0x99: {  	[hbm4b:s25+s12] =	stream.strided.scatter [tilespmem:s24], [sflag:$0x5], $0x6400, s13, s12, $0x38;
	[tilespmem:$0x1CD60] =	vst v63  }
0x9a: {  	s22 =	simm.s32 $0x4;
	s31 =	sadd.s32 $0x8, s25;
	s15 =	smov.u32 s10  }
0x9b: {  	[hbm4b:s31+s14] =	stream.strided.scatter [tilespmem:s26], [sflag:$0x5], $0x3200, s13, s14, $0x38;
	[tilespmem:$0x1CD60] =	vst v63  }
.LBB2_2:
0x9c: {  	[hbm4b:s18+s14] =	stream.strided.scatter [tilespmem:s17], [sflag:$0x5], $0x3200, s13, s14, $0x38;
	[tilespmem:$0x1CD60] =	vst v63  }
0x9d: {  	_ =	swait.ge [sflag:s28], $0x190  }
0x9e: {  	[sflag:s28] =	ssyncset.done $0x0  }
0x9f: {  	[sflag:s28] =	ssyncadd.s32 $0xFFFFFE70  }
0xa0: {  	_ =	swait.ge [sflag:s28], $0x190  }
0xa1: {  	[sflag:s28] =	ssyncset.done $0x0  }
0xa2: {  	s16 =	smov.u32 s19;
	[sflag:s28] =	ssyncadd.s32 $0xFFFFFE70  }
0xa3: {  	p2 =	seq.s32 s16, $0x0;
	_ =	swait.ge [sflag:s28], $0x190  }
0xa4: {  	s17 =	simm.s32 @p2 $0x190;
	[sflag:s28] =	ssyncset.done $0x0  }
0xa5: {  	s18 =	simm.s32 @p2 $0x3400;
	s24 =	simm.s32 @p2 $0x3D60;
	[sflag:s28] =	ssyncadd.s32 $0xFFFFFE70  }
0xa6: {  	[tilespmem:s24], [sflag:$0x3] =	stream.indirect.gather @p2 [spmem:s2], $0x40, s18, s17, $0xb8;
	[tilespmem:$0x1CD60] =	vst v63  }
0xa7: {  	s25 =	simm.s32 @p2 $0x3720;
	s26 =	simm.s32 @p2 $0x10560  }
0xa8: {  	[tilespmem:s26], [sflag:$0x3] =	stream.indirect.gather @p2 [spmem:s3], $0x20, s25, s17, $0xb8;
	[tilespmem:$0x1CD60] =	vst v63  }
0xa9: {  	s18 =	simm.s32 @p2 $0x3A40;
	s24 =	simm.s32 @p2 $0x16960  }
0xaa: {  	[tilespmem:s24], [sflag:$0x3] =	stream.indirect.gather @p2 [spmem:s4], $0x20, s18, s17, $0xb8;
	[tilespmem:$0x1CD60] =	vst v63  }
0xab: {  	s0 =	rddreg [dreg:$0x6];
	s25 =	simm.s32 @p2 $0x0;
	s26 =	simm.s32 @p2 $0x3590  }
0xac: {  	[tilespmem:s26], [sflag:$0x2] =	stream.linear.gather @p2 [hbm4b:s0+s25], $0x190, $0x38;
	[tilespmem:$0x1CD60] =	vst v63  }
0xad: {  	s18 =	simm.s32 @p2 $0x38B0;
	s24 =	rddreg [dreg:$0x7]  }
0xae: {  	[tilespmem:s18], [sflag:$0x2] =	stream.linear.gather @p2 [hbm4b:s24+s25], $0x190, $0x38;
	[tilespmem:$0x1CD60] =	vst v63  }
0xaf: {  	s10 =	simm.s32 @!p2 $0x5;
	s31 =	rddreg [dreg:$0x8];
	s0 =	simm.s32 @p2 $0x3BD0  }
0xb0: {  	[tilespmem:s0], [sflag:$0x2] =	stream.linear.gather @p2 [hbm4b:s31+s25], $0x190, $0x38;
	[tilespmem:$0x1CD60] =	vst v63  }
0xb1: {  	_ =	swait.ge @!p2 [sflag:s10], $0x6400  }
0xb2: {  	[sflag:s10] =	ssyncset.done @!p2 $0x0  }
0xb3: {  	[sflag:s10] =	ssyncadd.s32 @!p2 $0xFFFF9C00  }
0xb4: {  	s20 =	sadd.s32 $0x19000, s20;
	_ =	swait.ge @!p2 [sflag:s10], $0x3200  }
0xb5: {  	s26 =	sadd.s32 @!p2 $0x40, s20;
	[sflag:s10] =	ssyncset.done @!p2 $0x0  }
0xb6: {  	s18 =	sshrl.u32 @!p2 s26, $0x3;
	[sflag:s10] =	ssyncadd.s32 @!p2 $0xFFFFCE00  }
0xb7: {  	s24 =	sadd.s32 @!p2 $0x60, s20;
	s26 =	simm.s32 @!p2 $0x3400;
	_ =	swait.ge @!p2 [sflag:s10], $0x3200  }
0xb8: {  	s0 =	sshrl.u32 @!p2 s24, $0x3;
	s25 =	simm.s32 @!p2 $0x190;
	[sflag:s10] =	ssyncset.done @!p2 $0x0  }
0xb9: {  	s24 =	sadd.s32 @!p2 s1, s0;
	s0 =	simm.s32 @!p2 $0x3D60;
	[sflag:s10] =	ssyncadd.s32 @!p2 $0xFFFFCE00  }
0xba: {  	[tilespmem:s0], [sflag:$0x3] =	stream.indirect.gather @!p2 [spmem:s2], $0x40, s26, s25, $0xb8;
	[tilespmem:$0x1CD60] =	vst v63  }
0xbb: {  	s31 =	simm.s32 @!p2 $0x10560;
	s10 =	simm.s32 @!p2 $0x3720  }
0xbc: {  	[tilespmem:s31], [sflag:$0x3] =	stream.indirect.gather @!p2 [spmem:s3], $0x20, s10, s25, $0xb8;
	[tilespmem:$0x1CD60] =	vst v63  }
0xbd: {  	s0 =	simm.s32 @!p2 $0x3A40;
	s26 =	simm.s32 @!p2 $0x16960;
	s10 =	simm.s32 @!p2 $0x4  }
0xbe: {  	[tilespmem:s26], [sflag:$0x3] =	stream.indirect.gather @!p2 [spmem:s4], $0x20, s0, s25, $0xb8;
	[tilespmem:$0x1CD60] =	vst v63  }
0xbf: {  	_ =	swait.ge @!p2 [sflag:s10], $0x6400  }
0xc0: {  	[sflag:s10] =	ssyncset.done @!p2 $0x0  }
0xc1: {  	[sflag:s10] =	ssyncadd.s32 @!p2 $0xFFFF9C00  }
0xc2: {  	_ =	swait.ge @!p2 [sflag:s10], $0x3200  }
0xc3: {  	[sflag:s10] =	ssyncset.done @!p2 $0x0  }
0xc4: {  	[sflag:s10] =	ssyncadd.s32 @!p2 $0xFFFFCE00  }
0xc5: {  	_ =	swait.ge @!p2 [sflag:s10], $0x3200  }
0xc6: {  	[sflag:s10] =	ssyncset.done @!p2 $0x0  }
0xc7: {  	s0 =	simm.s32 @!p2 $0x0;
	s25 =	simm.s32 @!p2 $0x3590;
	[sflag:s10] =	ssyncadd.s32 @!p2 $0xFFFFCE00  }
0xc8: {  	[tilespmem:s25], [sflag:$0x2] =	stream.linear.gather @!p2 [hbm4b:s23+s0], $0x190, $0x38;
	[tilespmem:$0x1CD60] =	vst v63  }
0xc9: {  	s17 =	sshrl.u32 @!p2 s20, $0x3;
	s10 =	simm.s32 @!p2 $0x38B0  }
0xca: {  	[tilespmem:s10], [sflag:$0x2] =	stream.linear.gather @!p2 [hbm4b:s21+s0], $0x190, $0x38;
	[tilespmem:$0x1CD60] =	vst v63  }
0xcb: {  	s15 =	sadd.s32 $0x64, s15;
	s17 =	sadd.s32 @!p2 s1, s17;
	s25 =	simm.s32 @!p2 $0x3BD0  }
0xcc: {  	[tilespmem:s25], [sflag:$0x2] =	stream.linear.gather @!p2 [hbm4b:s15+s0], $0x190, $0x38;
	[tilespmem:$0x1CD60] =	vst v63  }
0xcd: {  	s31 =	simm.s32 @!p2 $0xA160;
	s26 =	simm.s32 @!p2 $0x80;
	s10 =	simm.s32 @!p2 $0x40  }
0xce: {  	[hbm4b:s17+s10] =	stream.strided.scatter @!p2 [tilespmem:s31], [sflag:$0x6], $0x6400, s26, s10, $0x38;
	[tilespmem:$0x1CD60] =	vst v63  }
0xcf: {  	s18 =	sadd.s32 @!p2 s1, s18;
	s0 =	simm.s32 @!p2 $0x20;
	s25 =	simm.s32 @!p2 $0x13760  }
0xd0: {  	[hbm4b:s18+s0] =	stream.strided.scatter @!p2 [tilespmem:s25], [sflag:$0x6], $0x3200, s26, s0, $0x38;
	[tilespmem:$0x1CD60] =	vst v63  }
0xd1: {  	s10 =	simm.s32 @!p2 $0x19B60  }
0xd2: {  	[hbm4b:s24+s0] =	stream.strided.scatter @!p2 [tilespmem:s10], [sflag:$0x6], $0x3200, s26, s0, $0x38;
	[tilespmem:$0x1CD60] =	vst v63  }
0xd3: {  	_ =	swait.ge [sflag:s29], $0x190  }
0xd4: {  	[sflag:s29] =	ssyncset.done $0x0  }
0xd5: {  	[sflag:s29] =	ssyncadd.s32 $0xFFFFFE70  }
0xd6: {  	_ =	swait.ge [sflag:s29], $0x190  }
0xd7: {  	[sflag:s29] =	ssyncset.done $0x0  }
0xd8: {  	[sflag:s29] =	ssyncadd.s32 $0xFFFFFE70  }
0xd9: {  	_ =	swait.ge [sflag:s29], $0x190  }
0xda: {  	[sflag:s29] =	ssyncset.done $0x0  }
0xdb: {  	s0 =	simm.s32 @!p2 $0x6;
	[sflag:s29] =	ssyncadd.s32 $0xFFFFFE70  }
0xdc: {  	_ =	swait.ge @!p2 [sflag:s0], $0x6400  }
0xdd: {  	[sflag:s0] =	ssyncset.done @!p2 $0x0  }
0xde: {  	[sflag:s0] =	ssyncadd.s32 @!p2 $0xFFFF9C00  }
0xdf: {  	_ =	swait.ge @!p2 [sflag:s0], $0x3200  }
0xe0: {  	[sflag:s0] =	ssyncset.done @!p2 $0x0  }
0xe1: {  	[sflag:s0] =	ssyncadd.s32 @!p2 $0xFFFFCE00  }
0xe2: {  	_ =	swait.ge @!p2 [sflag:s0], $0x3200  }
0xe3: {  	[sflag:s0] =	ssyncset.done @!p2 $0x0  }
0xe4: {  	s24 =	simm.s32 $0xA160;
	s18 =	rddreg [dreg:$0xa];
	[sflag:s0] =	ssyncadd.s32 @!p2 $0xFFFFCE00  }
0xe5: {  	[tilespmem:s24], [sflag:$0x4] =	stream.indirect.gather [spmem:s2], $0x40, s18, s30, $0xb8;
	[tilespmem:$0x1CD60] =	vst v63  }
0xe6: {  	s0 =	rddreg [dreg:$0xb];
	s24 =	simm.s32 $0x13760  }
0xe7: {  	[tilespmem:s24], [sflag:$0x4] =	stream.indirect.gather [spmem:s3], $0x20, s0, s30, $0xb8;
	[tilespmem:$0x1CD60] =	vst v63  }
0xe8: {  	s10 =	simm.s32 $0x19B60;
	s17 =	rddreg [dreg:$0xc]  }
0xe9: {  	[tilespmem:s10], [sflag:$0x4] =	stream.indirect.gather [spmem:s4], $0x20, s17, s30, $0xb8;
	[tilespmem:$0x1CD60] =	vst v63  }
0xea: {  	_ =	swait.ge [sflag:s11], $0x6400  }
0xeb: {  	[sflag:s11] =	ssyncset.done $0x0  }
0xec: {  	[sflag:s11] =	ssyncadd.s32 $0xFFFF9C00  }
0xed: {  	_ =	swait.ge [sflag:s11], $0x3200  }
0xee: {  	s17 =	sand.u32 $0x3E, s22;
	[sflag:s11] =	ssyncset.done $0x0  }
0xef: {  	s0 =	sor.u32 s8, s17;
	[sflag:s11] =	ssyncadd.s32 $0xFFFFCE00  }
0xf0: {  	s19 =	sadd.s32 $0x3200, s19;
	s0 =	smul.u32 $0x32, s0;
	_ =	swait.ge [sflag:s11], $0x3200  }
0xf1: {  	p1 =	sne.s32 s19, $0x64000;
	[sflag:s11] =	ssyncset.done $0x0  }
0xf2: {  	s25 =	simm.s32 $0x3400;
	s18 =	sadd.s32 s6, s0;
	[sflag:s11] =	ssyncadd.s32 $0xFFFFCE00  }
0xf3: {  	[tilespmem:s25], [sflag:$0x1] =	stream.linear.gather [hbm4b:s18+s5], $0x190, $0x38;
	[tilespmem:$0x1CD60] =	vst v63  }
0xf4: {  	s23 =	sadd.s32 $0x64, s23;
	s26 =	simm.s32 $0x3720;
	s24 =	sadd.s32 s7, s0  }
0xf5: {  	[tilespmem:s26], [sflag:$0x1] =	stream.linear.gather [hbm4b:s24+s5], $0x190, $0x38;
	[tilespmem:$0x1CD60] =	vst v63  }
0xf6: {  	s31 =	simm.s32 $0x3A40;
	s0 =	sadd.s32 s9, s0;
	s17 =	rddreg [dreg:$0x9]  }
0xf7: {  	[tilespmem:s31], [sflag:$0x1] =	stream.linear.gather [hbm4b:s0+s5], $0x190, $0x38;
	[tilespmem:$0x1CD60] =	vst v63  }
.Ltmp0:
0xf8: {  	s21 =	sadd.s32 $0x64, s21;
	s10 =	rddreg [dreg:$0xd];
	(pc) =	sbr.rel @p1 .LBB2_2-.Ltmp0, $4  }
0xf9: {  	s22 =	sadd.s32 $0x2, s22;
	s16 =	sadd.s32 s16, s17;
	s17 =	rddreg [dreg:$0xf]  }
0xfa: {  	[hbm4b:s16+s12] =	stream.strided.scatter [tilespmem:s10], [sflag:$0x5], $0x6400, s13, s12, $0x38;
	[tilespmem:$0x1CD60] =	vst v63  }
0xfb: {  	s18 =	sadd.s32 $0xC, s16;
	s24 =	rddreg [dreg:$0xe];
	s0 =	sadd.s32 $0x8, s16  }
0xfc: {  	[hbm4b:s0+s14] =	stream.strided.scatter [tilespmem:s24], [sflag:$0x5], $0x3200, s13, s14, $0x38;
	[tilespmem:$0x1CD60] =	vst v63  }
0xfd: {  	[hbm4b:s18+s14] =	stream.strided.scatter [tilespmem:s17], [sflag:$0x5], $0x3200, s13, s14, $0x38;
	[tilespmem:$0x1CD60] =	vst v63  }
0xfe: {  	s0 =	simm.s32 $0x4  }
0xff: {  	_ =	swait.ge [sflag:s0], $0x6400  }
0x100: {  	[sflag:s0] =	ssyncset.done $0x0  }
0x101: {  	[sflag:s0] =	ssyncadd.s32 $0xFFFF9C00  }
0x102: {  	_ =	swait.ge [sflag:s0], $0x3200  }
0x103: {  	[sflag:s0] =	ssyncset.done $0x0  }
0x104: {  	[sflag:s0] =	ssyncadd.s32 $0xFFFFCE00  }
0x105: {  	_ =	swait.ge [sflag:s0], $0x3200  }
0x106: {  	[sflag:s0] =	ssyncset.done $0x0  }
0x107: {  	s10 =	simm.s32 $0xA160;
	s16 =	rddreg [dreg:$0x16];
	[sflag:s0] =	ssyncadd.s32 $0xFFFFCE00  }
0x108: {  	[hbm4b:s16+s12] =	stream.strided.scatter [tilespmem:s10], [sflag:$0x6], $0x6400, s13, s12, $0x38;
	[tilespmem:$0x1CD60] =	vst v63  }
0x109: {  	s18 =	simm.s32 $0x13760;
	s17 =	rddreg [dreg:$0x17]  }
0x10a: {  	[hbm4b:s17+s14] =	stream.strided.scatter [tilespmem:s18], [sflag:$0x6], $0x3200, s13, s14, $0x38;
	[tilespmem:$0x1CD60] =	vst v63  }
0x10b: {  	s20 =	simm.s32 $0x19B60;
	s21 =	simm.s32 $0x5;
	s19 =	rddreg [dreg:$0x18]  }
0x10c: {  	[hbm4b:s19+s14] =	stream.strided.scatter [tilespmem:s20], [sflag:$0x6], $0x3200, s13, s14, $0x38;
	[tilespmem:$0x1CD60] =	vst v63  }
0x10d: {  	_ =	swait.ge [sflag:s21], $0x6400  }
0x10e: {  	[sflag:s21] =	ssyncset.done $0x0  }
0x10f: {  	[sflag:s21] =	ssyncadd.s32 $0xFFFF9C00  }
0x110: {  	_ =	swait.ge [sflag:s21], $0x3200  }
0x111: {  	[sflag:s21] =	ssyncset.done $0x0  }
0x112: {  	[sflag:s21] =	ssyncadd.s32 $0xFFFFCE00  }
0x113: {  	_ =	swait.ge [sflag:s21], $0x3200  }
0x114: {  	[sflag:s21] =	ssyncset.done $0x0  }
0x115: {  	s22 =	simm.s32 $0x6;
	[sflag:s21] =	ssyncadd.s32 $0xFFFFCE00  }
0x116: {  	_ =	swait.ge [sflag:s22], $0x6400  }
0x117: {  	[sflag:s22] =	ssyncset.done $0x0  }
0x118: {  	[sflag:s22] =	ssyncadd.s32 $0xFFFF9C00  }
0x119: {  	_ =	swait.ge [sflag:s22], $0x3200  }
0x11a: {  	[sflag:s22] =	ssyncset.done $0x0  }
0x11b: {  	[sflag:s22] =	ssyncadd.s32 $0xFFFFCE00  }
0x11c: {  	_ =	swait.ge [sflag:s22], $0x3200  }
0x11d: {  	[sflag:s22] =	ssyncset.done $0x0  }
0x11e: {  	[sflag:s22] =	ssyncadd.s32 $0xFFFFCE00  }
0x11f: {  	_ =	swait.ge [sflag:s28], $0x190  }
0x120: {  	[sflag:s28] =	ssyncset.done $0x0  }
0x121: {  	[sflag:s28] =	ssyncadd.s32 $0xFFFFFE70  }
0x122: {  	_ =	swait.ge [sflag:s28], $0x190  }
0x123: {  	[sflag:s28] =	ssyncset.done $0x0  }
0x124: {  	[sflag:s28] =	ssyncadd.s32 $0xFFFFFE70  }
0x125: {  	_ =	swait.ge [sflag:s28], $0x190  }
0x126: {  	s23 =	rddreg [dreg:$0x1e]  }
0x127: {  	s24 =	rddreg [dreg:$0x19];
	s10 =	sadd.s32 $0x1, s23  }
0x128: {  	p1 =	sne.s32 s10, s24  }
.Ltmp1:
0x129: {  	_ = 	snop;
	(pc) =	sbr.rel @p1 .LBB2_1-.Ltmp1, $3  }
0x12a: {  	_ =	sdelay $0x1  }
0x12b: {  	[sflag:s28] =	ssyncset.done $0x0  }
0x12c: {  	[sflag:s28] =	ssyncadd.s32 $0xFFFFFE70  }
0x12d: {  	_ =	sfence.sel $0x180000  }
0x12e: {  	[bflag:$0x0] =	sbarrier.arrive $0xFFFF  }
0x12f: {  	_ =	strace $0x90000047  }
0x130: {  	[bflag:$0x2] =	sbarrier.arrive $0xFFFF  }
0x131: {  	s0 =	rddreg [dreg:$0x5]  }
0x132: {  	s0 =	sadd.s32 @!p0 $0x100000, s0  }
0x133: {  	[sflag:s0] =	ssyncadd.tile.s32 @!p0 $0x1;
	_ =	shalt  }
.Lfunc_end2:
_tile_overlayer_lowered:
.L_overlay_start_2:
0x134: {  	(tag) =	ssettag $0x2  }
0x135: {  	s0 =	rddreg [dreg:$0x0];
	s2 =	stileid.u32  }
0x136: {  	s1 =	rddreg [dreg:$0x1];
	p0 =	sne.s32 s2, $0x0  }
0x137: {  	s3 =	rddreg [dreg:$0x2];
	[bflag:$0x3] =	sbarrier.arrive $0xFFFF;
	s2 =	simm.s32 @!p0 $0x1C07  }
0x138: {  	[timem:s3], [sflag:s2] =	dma.local @!p0 [hbm:s0], s1  }
0x139: {  	s0 =	simm.s32 @!p0 $0x7  }
0x13a: {  	_ =	swait.ge @!p0 [sflag:s0], s1  }
0x13b: {  	s1 =	ssub.s32 @!p0 $0x0, s1;
	[sflag:s0] =	ssyncset.done @!p0 $0x0  }
0x13c: {  	[sflag:s0] =	ssyncadd.s32 @!p0 s1  }
0x13d: {  	[bflag:$0x3] =	sbarrier.arrive $0xFFFF  }
0x13e: {  	_ =	shalt  }

</sc_bundles>
